<compile_context>
chip_gen: v7x
topology: tpu7x:2x2x1
jax: 0.10.2.dev20260603
libtpu: 0.0.44.dev20260713+nightly
codegen_flags: <defaults>
</compile_context>

<pallas_src>
import functools

import jax
import jax.numpy as jnp
from jax import lax
from jax.experimental import pallas as pl
from jax.experimental.pallas import tpu as pltpu
from jax.experimental.pallas import tpu_sc as plsc

NC = 2
NS = 16
NW = NC * NS
L = 16
C = 2048


def _edge_partition(nnz):
    e_per = pl.cdiv(nnz, NW * C) * C
    return e_per, NW * e_per


def _make_diag_kernel(n, e_per):
    mesh = plsc.VectorSubcoreMesh(core_axis_name="c", subcore_axis_name="s",
                                  num_cores=NC, num_subcores=NS)
    nch = e_per // C

    @functools.partial(
        pl.kernel,
        out_type=(
            jax.ShapeDtypeStruct((NW, n), jnp.float32),
            jax.ShapeDtypeStruct((NW, n), jnp.int32),
            jax.ShapeDtypeStruct((NW, L), jnp.float32),
        ),
        mesh=mesh,
        scratch_types=[
            pltpu.VMEM((n,), jnp.float32),
            pltpu.VMEM((n,), jnp.int32),
            pltpu.VMEM((C,), jnp.int32),
            pltpu.VMEM((C,), jnp.int32),
            pltpu.VMEM((C,), jnp.float32),
            pltpu.VMEM((L,), jnp.float32),
        ],
        compiler_params=pltpu.CompilerParams(needs_layout_passes=False),
    )
    def diag_kernel(rows_h, cols_h, vals_h, diag_o, pos_o, max_o,
                    diag_v, pos_v, rbuf, cbuf, vbuf, max_v):
        wid = lax.axis_index("s") * NC + lax.axis_index("c")
        base = wid * e_per

        def init_body(i, carry):
            diag_v[pl.ds(i * L, L)] = jnp.zeros((L,), jnp.float32)
            pos_v[pl.ds(i * L, L)] = jnp.full((L,), -1, jnp.int32)
            return carry

        lax.fori_loop(0, n // L, init_body, 0)

        iota = lax.iota(jnp.int32, L)

        def chunk_body(ch, maxcarry):
            start = base + ch * C
            pltpu.sync_copy(rows_h.at[pl.ds(start, C)], rbuf)
            pltpu.sync_copy(cols_h.at[pl.ds(start, C)], cbuf)
            pltpu.sync_copy(vals_h.at[pl.ds(start, C)], vbuf)

            def vec_body(v, mc):
                r16 = rbuf[pl.ds(v * L, L)]
                c16 = cbuf[pl.ds(v * L, L)]
                v16 = vbuf[pl.ds(v * L, L)]
                m = r16 == c16
                plsc.store_scatter(diag_v, [r16], v16, mask=m)
                pos16 = iota + (start + v * L)
                plsc.store_scatter(pos_v, [r16], pos16, mask=m)
                return jnp.maximum(mc, jnp.abs(v16))

            return lax.fori_loop(0, C // L, vec_body, maxcarry)

        maxv = lax.fori_loop(0, nch, chunk_body, jnp.zeros((L,), jnp.float32))
        max_v[...] = maxv
        pltpu.sync_copy(diag_v, diag_o.at[wid])
        pltpu.sync_copy(pos_v, pos_o.at[wid])
        pltpu.sync_copy(max_v, max_o.at[wid])

    return diag_kernel


def _mlp_body(diag_ref, pos_ref, maxabs_ref, b_ref, W1b_ref, b1_ref,
              W2_ref, b2_ref, W3_ref, b3_ref, y_ref):
    m_max = jnp.maximum(jnp.max(maxabs_ref[...]), jnp.float32(1e-16))
    pos = pos_ref[...]
    val = diag_ref[...]
    maxpos = jnp.max(pos, axis=0)
    diag = jnp.sum(jnp.where(pos == maxpos[None, :], val, 0.0), axis=0)
    f1 = b_ref[0, :] / m_max
    xf = jnp.stack([f1, diag], axis=1)
    h1 = jnp.maximum(
        jnp.dot(xf, W1b_ref[...], preferred_element_type=jnp.float32)
        + b1_ref[0, :], 0.0)
    h2 = jnp.maximum(
        jnp.dot(h1, W2_ref[...], preferred_element_type=jnp.float32)
        + b2_ref[0, :], 0.0)
    y = jnp.dot(h2, W3_ref[...], preferred_element_type=jnp.float32)[:, 0]
    y_ref[0, :] = y + b3_ref[0, 0]


def _make_mlp_call(n, h, r_blk):
    g = n // r_blk
    return pl.pallas_call(
        _mlp_body,
        grid=(g,),
        in_specs=[
            pl.BlockSpec((NW, r_blk), lambda i: (0, i)),
            pl.BlockSpec((NW, r_blk), lambda i: (0, i)),
            pl.BlockSpec((NW, L), lambda i: (0, 0)),
            pl.BlockSpec((1, r_blk), lambda i: (0, i)),
            pl.BlockSpec((2, h), lambda i: (0, 0)),
            pl.BlockSpec((1, h), lambda i: (0, 0)),
            pl.BlockSpec((h, h), lambda i: (0, 0)),
            pl.BlockSpec((1, h), lambda i: (0, 0)),
            pl.BlockSpec((h, 1), lambda i: (0, 0)),
            pl.BlockSpec((1, 1), lambda i: (0, 0)),
        ],
        out_specs=pl.BlockSpec((1, r_blk), lambda i: (0, i)),
        out_shape=jax.ShapeDtypeStruct((1, n), jnp.float32),
        compiler_params=pltpu.CompilerParams(
            dimension_semantics=("arbitrary",)),
    )


def _make_spmv_kernel(n, e_per):
    mesh = plsc.VectorSubcoreMesh(core_axis_name="c", subcore_axis_name="s",
                                  num_cores=NC, num_subcores=NS)
    nch = e_per // C

    @functools.partial(
        pl.kernel,
        out_type=jax.ShapeDtypeStruct((NW, n), jnp.float32),
        mesh=mesh,
        scratch_types=[
            pltpu.VMEM((n,), jnp.float32),
            pltpu.VMEM((n,), jnp.float32),
            pltpu.VMEM((C,), jnp.int32),
            pltpu.VMEM((C,), jnp.int32),
            pltpu.VMEM((C,), jnp.float32),
        ],
        compiler_params=pltpu.CompilerParams(needs_layout_passes=False),
    )
    def spmv_kernel(rows_h, cols_h, vals_h, y_h, p_o,
                    y_v, p_v, rbuf, cbuf, vbuf):
        wid = lax.axis_index("s") * NC + lax.axis_index("c")
        base = wid * e_per
        pltpu.sync_copy(y_h, y_v)

        def init_body(i, carry):
            p_v[pl.ds(i * L, L)] = jnp.zeros((L,), jnp.float32)
            return carry

        lax.fori_loop(0, n // L, init_body, 0)

        def chunk_body(ch, carry):
            start = base + ch * C
            pltpu.sync_copy(rows_h.at[pl.ds(start, C)], rbuf)
            pltpu.sync_copy(cols_h.at[pl.ds(start, C)], cbuf)
            pltpu.sync_copy(vals_h.at[pl.ds(start, C)], vbuf)

            def vec_body(v, c):
                r16 = rbuf[pl.ds(v * L, L)]
                c16 = cbuf[pl.ds(v * L, L)]
                v16 = vbuf[pl.ds(v * L, L)]
                yv = plsc.load_gather(y_v, [c16])
                plsc.addupdate_scatter(p_v, [r16], v16 * yv)
                return c

            return lax.fori_loop(0, C // L, vec_body, carry)

        lax.fori_loop(0, nch, chunk_body, 0)
        pltpu.sync_copy(p_v, p_o.at[wid])

    return spmv_kernel


def _scale_body(p_ref, b_ref, y_ref, out_ref):
    p = jnp.sum(p_ref[...], axis=0)
    pp = jnp.sum(p * p)
    bp = jnp.sum(p * b_ref[0, :])
    scaler = jnp.maximum(bp / jnp.maximum(pp, jnp.float32(1e-16)),
                         jnp.float32(1e-16))
    out_ref[0, :] = y_ref[0, :] * scaler


def _make_scale_call(n):
    return pl.pallas_call(
        _scale_body,
        out_shape=jax.ShapeDtypeStruct((1, n), jnp.float32),
    )


def kernel(b, m_indices, m_values, W1, b1, W2, b2, W3, b3):
    n = b.shape[0]
    nnz = m_values.shape[0]
    h = W2.shape[0]
    e_per, nnz_pad = _edge_partition(nnz)
    pad = nnz_pad - nnz

    rows = jnp.concatenate([m_indices[0], jnp.zeros((pad,), jnp.int32)])
    cols = jnp.concatenate([m_indices[1], jnp.ones((pad,), jnp.int32)])
    vals = jnp.concatenate([m_values, jnp.zeros((pad,), jnp.float32)])

    diag_all, pos_all, maxabs = _make_diag_kernel(n, e_per)(rows, cols, vals)

    y2d = _make_mlp_call(n, h, 2048)(
        diag_all, pos_all, maxabs, b.reshape(1, n), W1[1:3],
        b1.reshape(1, h), W2, b2.reshape(1, h), W3, b3.reshape(1, 1))

    p_all = _make_spmv_kernel(n, e_per)(rows, cols, vals, y2d.reshape(n))

    out2d = _make_scale_call(n)(p_all, b.reshape(1, n), y2d)
    return out2d.reshape(n)

# --- scband reference (transcript-rebuilt; emitter-appended) ---
"""Pipeline reference for scband-single-inference-63780264345911 (READ-ONLY COPY).

The authoritative reference and input builder live on the scoring server;
editing this copy changes nothing except your own understanding.
"""

import jax, jax.numpy as jnp
import numpy as np

N = 16384
NNZ = 2684354
H = 1024

def setup_inputs(seed: int = 0) -> dict:
    key = jax.random.key(seed)
    k = lambda i: jax.random.fold_in(key, i)
    b = jax.random.normal(k(0), (N,), dtype=jnp.float32)
    m_indices = jax.random.randint(k(1), (2, NNZ), 0, N, dtype=jnp.int32)
    m_values = jax.random.normal(k(2), (NNZ,), dtype=jnp.float32)
    W1 = jax.random.normal(k(3), (3, H), dtype=jnp.float32) * 0.05
    b1 = jnp.zeros((H,), dtype=jnp.float32)
    W2 = jax.random.normal(k(4), (H, H), dtype=jnp.float32) * 0.02
    b2 = jnp.zeros((H,), dtype=jnp.float32)
    W3 = jax.random.normal(k(5), (H, 1), dtype=jnp.float32) * 0.02
    b3 = jnp.zeros((1,), dtype=jnp.float32)
    return {"b": b, "m_indices": m_indices, "m_values": m_values,
            "W1": W1, "b1": b1, "W2": W2, "b2": b2, "W3": W3, "b3": b3}

def reference(b, m_indices, m_values, W1, b1, W2, b2, W3, b3):
    rows = m_indices[0]
    cols = m_indices[1]
    # diagonal entries of the sparse COO matrix (indices are constants)
    diag_mask = rows == cols
    diag_rows = jnp.where(diag_mask, rows, b.shape[0])
    diagonal = jnp.zeros_like(b).at[diag_rows].set(
        jnp.where(diag_mask, m_values, jnp.float32(0.0)), mode="drop")
    # x defaults to None -> zeros
    x = jnp.zeros_like(b)
    x_features = jnp.stack([x, b, diagonal], axis=-1)  # [N, 3]
    b_max = jnp.maximum(jnp.max(jnp.abs(b)), 1e-16)
    m_max = jnp.maximum(jnp.max(jnp.abs(m_values)), 1e-16)
    x_features = x_features.at[:, 0].set(x_features[:, 0] / b_max)
    x_features = x_features.at[:, 1].set(x_features[:, 1] / m_max)
    scaled_m_values = m_values / m_max  # passed to the inner model (MLP ignores it)
    # wrapped model: per-node MLP 3 -> H -> H -> 1
    h = jax.nn.relu(x_features @ W1 + b1)
    h = jax.nn.relu(h @ W2 + b2)
    y_direction = (h @ W3 + b3)[:, 0]
    # p = M @ y via scatter-add over COO entries (duplicates summed, like torch sparse mv)
    p_direction = jnp.zeros_like(b).at[rows].add(m_values * y_direction[cols])
    p_squared_norm = jnp.sum(p_direction * p_direction)
    bp_dot_product = jnp.dot(p_direction, b)
    scaler = jnp.maximum(bp_dot_product / jnp.maximum(p_squared_norm, 1e-16), 1e-16)
    y_hat = y_direction * scaler
    return y_hat

if __name__ == "__main__":
    import jax
    _d = setup_inputs()
    print(jax.jit(kernel)(*tuple(_d.values())))

</pallas_src>

<mosaic_0001>
#map = affine_map<(d0, d1) -> (0)>
#map1 = affine_map<(d0, d1) -> (0, 0)>
module attributes {stable_mosaic.version = 14 : i64} {
  func.func @diag_kernel(%arg0: i32, %arg1: i32, %arg2: memref<2686976xi32, #tpu.memory_space<hbm>>, %arg3: memref<2686976xi32, #tpu.memory_space<hbm>>, %arg4: memref<2686976xf32, #tpu.memory_space<hbm>>, %arg5: memref<32x16384xf32, #tpu.memory_space<hbm>>, %arg6: memref<32x16384xi32, #tpu.memory_space<hbm>>, %arg7: memref<32x16xf32, #tpu.memory_space<hbm>>, %arg8: memref<16384xf32, #tpu.memory_space<vmem>>, %arg9: memref<16384xi32, #tpu.memory_space<vmem>>, %arg10: memref<2048xi32, #tpu.memory_space<vmem>>, %arg11: memref<2048xi32, #tpu.memory_space<vmem>>, %arg12: memref<2048xf32, #tpu.memory_space<vmem>>, %arg13: memref<16xf32, #tpu.memory_space<vmem>>) attributes {dimension_semantics = [#tpu.dimension_semantics<core_parallel>, #tpu.dimension_semantics<subcore_parallel>], iteration_bounds = array<i64: 2, 16>, scalar_prefetch = 0 : i64, scratch_operands = 6 : i64, tpu.core_type = #tpu.core_type<sc_vector_subcore>, window_params = [{transform_indices = #map}, {transform_indices = #map}, {transform_indices = #map}, {transform_indices = #map1}, {transform_indices = #map1}, {transform_indices = #map1}]} {
    %mul3A = arith.constant 2 : i32
    %mul3A_0 = arith.muli %arg1, %mul3A : i32
    %add3A = arith.addi %mul3A_0, %arg0 : i32
    %mul3A_1 = arith.constant 83968 : i32
    %mul3A_2 = arith.muli %add3A, %mul3A_1 : i32
    %scan3A = arith.constant 0 : i32
    %scan3A_3 = arith.constant 0 : i32
    %scan3A_4 = arith.constant 1024 : i32
    %scan3A_5 = arith.addi %scan3A_3, %scan3A_4 : i32
    %scan3A_6 = arith.constant 1 : i32
    scf.for %scan3A_16 = %scan3A_3 to %scan3A_5 step %scan3A_6  : i32 {
      %broadcast_in_dim3A_17 = arith.constant 0.000000e+00 : f32
      %broadcast_in_dim3A_18 = vector.broadcast %broadcast_in_dim3A_17 : f32 to vector<16xf32>
      %mul3A_19 = arith.constant 16 : i32
      %mul3A_20 = arith.muli %scan3A_16, %mul3A_19 : i32
      %swap3A_21 = arith.index_cast %mul3A_20 : i32 to index
      %swap3A_22 = tpu.vector_load %arg8[%swap3A_21] {strides = array<i32>} : memref<16384xf32, #tpu.memory_space<vmem>>, vector<16xf32>,
      tpu.vector_store %arg8[%swap3A_21], %broadcast_in_dim3A_18 {strides = array<i32>} : memref<16384xf32, #tpu.memory_space<vmem>>, vector<16xf32>,
      %broadcast_in_dim3A_23 = arith.constant -1 : i32
      %broadcast_in_dim3A_24 = vector.broadcast %broadcast_in_dim3A_23 : i32 to vector<16xi32>
      %mul3A_25 = arith.constant 16 : i32
      %mul3A_26 = arith.muli %scan3A_16, %mul3A_25 : i32
      %swap3A_27 = arith.index_cast %mul3A_26 : i32 to index
      %swap3A_28 = tpu.vector_load %arg9[%swap3A_27] {strides = array<i32>} : memref<16384xi32, #tpu.memory_space<vmem>>, vector<16xi32>,
      tpu.vector_store %arg9[%swap3A_27], %broadcast_in_dim3A_24 {strides = array<i32>} : memref<16384xi32, #tpu.memory_space<vmem>>, vector<16xi32>,
    }
    %scan3A_7 = arith.constant 1024 : i32
    %iota3A = tpu.iota {dimensions = array<i32: 0>} : vector<16xi32>
    %broadcast_in_dim3A = arith.constant 0.000000e+00 : f32
    %broadcast_in_dim3A_8 = vector.broadcast %broadcast_in_dim3A : f32 to vector<16xf32>
    %scan3A_9 = arith.constant 0 : i32
    %scan3A_10 = arith.constant 41 : i32
    %scan3A_11 = arith.addi %scan3A_9, %scan3A_10 : i32
    %scan3A_12 = arith.constant 1 : i32
    %scan3A_13 = scf.for %scan3A_16 = %scan3A_9 to %scan3A_11 step %scan3A_12 iter_args(%scan3A_17 = %broadcast_in_dim3A_8) -> (vector<16xf32>)  : i32 {
      %mul3A_18 = arith.constant 2048 : i32
      %mul3A_19 = arith.muli %scan3A_16, %mul3A_18 : i32
      %add3A_20 = arith.addi %mul3A_2, %mul3A_19 : i32
      "tpu.region"() ({
        %run_scoped3A = tpu.sem_alloc : memref<!tpu.dma_semaphore, #tpu.memory_space<semaphore_mem>>
        %dma_start3A = tpu.memref_slice %arg2[%add3A_20] : memref<2686976xi32, #tpu.memory_space<hbm>> -> memref<2048xi32, #tpu.memory_space<hbm>>
        %dma_start3A_27 = tpu.memref_slice %arg2[%add3A_20] : memref<2686976xi32, #tpu.memory_space<hbm>> -> memref<2048xi32, #tpu.memory_space<hbm>>
        tpu.enqueue_dma source(%dma_start3A_27 : memref<2048xi32, #tpu.memory_space<hbm>>) target(%arg10 : memref<2048xi32, #tpu.memory_space<vmem>>) target_semaphore(%run_scoped3A : memref<!tpu.dma_semaphore, #tpu.memory_space<semaphore_mem>>)
        %dma_wait3A = tpu.memref_slice %arg2[%add3A_20] : memref<2686976xi32, #tpu.memory_space<hbm>> -> memref<2048xi32, #tpu.memory_space<hbm>>
        %dma_wait3A_28 = tpu.memref_slice %arg2[%add3A_20] : memref<2686976xi32, #tpu.memory_space<hbm>> -> memref<2048xi32, #tpu.memory_space<hbm>>
        tpu.wait_dma2 semaphore(%run_scoped3A : memref<!tpu.dma_semaphore, #tpu.memory_space<semaphore_mem>>) src(%dma_wait3A_28 : memref<2048xi32, #tpu.memory_space<hbm>>) dst(%arg10 : memref<2048xi32, #tpu.memory_space<vmem>>)
        tpu.yield
      }) : () -> ()
      "tpu.region"() ({
        %run_scoped3A = tpu.sem_alloc : memref<!tpu.dma_semaphore, #tpu.memory_space<semaphore_mem>>
        %dma_start3A = tpu.memref_slice %arg3[%add3A_20] : memref<2686976xi32, #tpu.memory_space<hbm>> -> memref<2048xi32, #tpu.memory_space<hbm>>
        %dma_start3A_27 = tpu.memref_slice %arg3[%add3A_20] : memref<2686976xi32, #tpu.memory_space<hbm>> -> memref<2048xi32, #tpu.memory_space<hbm>>
        tpu.enqueue_dma source(%dma_start3A_27 : memref<2048xi32, #tpu.memory_space<hbm>>) target(%arg11 : memref<2048xi32, #tpu.memory_space<vmem>>) target_semaphore(%run_scoped3A : memref<!tpu.dma_semaphore, #tpu.memory_space<semaphore_mem>>)
        %dma_wait3A = tpu.memref_slice %arg3[%add3A_20] : memref<2686976xi32, #tpu.memory_space<hbm>> -> memref<2048xi32, #tpu.memory_space<hbm>>
        %dma_wait3A_28 = tpu.memref_slice %arg3[%add3A_20] : memref<2686976xi32, #tpu.memory_space<hbm>> -> memref<2048xi32, #tpu.memory_space<hbm>>
        tpu.wait_dma2 semaphore(%run_scoped3A : memref<!tpu.dma_semaphore, #tpu.memory_space<semaphore_mem>>) src(%dma_wait3A_28 : memref<2048xi32, #tpu.memory_space<hbm>>) dst(%arg11 : memref<2048xi32, #tpu.memory_space<vmem>>)
        tpu.yield
      }) : () -> ()
      "tpu.region"() ({
        %run_scoped3A = tpu.sem_alloc : memref<!tpu.dma_semaphore, #tpu.memory_space<semaphore_mem>>
        %dma_start3A = tpu.memref_slice %arg4[%add3A_20] : memref<2686976xf32, #tpu.memory_space<hbm>> -> memref<2048xf32, #tpu.memory_space<hbm>>
        %dma_start3A_27 = tpu.memref_slice %arg4[%add3A_20] : memref<2686976xf32, #tpu.memory_space<hbm>> -> memref<2048xf32, #tpu.memory_space<hbm>>
        tpu.enqueue_dma source(%dma_start3A_27 : memref<2048xf32, #tpu.memory_space<hbm>>) target(%arg12 : memref<2048xf32, #tpu.memory_space<vmem>>) target_semaphore(%run_scoped3A : memref<!tpu.dma_semaphore, #tpu.memory_space<semaphore_mem>>)
        %dma_wait3A = tpu.memref_slice %arg4[%add3A_20] : memref<2686976xf32, #tpu.memory_space<hbm>> -> memref<2048xf32, #tpu.memory_space<hbm>>
        %dma_wait3A_28 = tpu.memref_slice %arg4[%add3A_20] : memref<2686976xf32, #tpu.memory_space<hbm>> -> memref<2048xf32, #tpu.memory_space<hbm>>
        tpu.wait_dma2 semaphore(%run_scoped3A : memref<!tpu.dma_semaphore, #tpu.memory_space<semaphore_mem>>) src(%dma_wait3A_28 : memref<2048xf32, #tpu.memory_space<hbm>>) dst(%arg12 : memref<2048xf32, #tpu.memory_space<vmem>>)
        tpu.yield
      }) : () -> ()
      %scan3A_21 = arith.constant 0 : i32
      %scan3A_22 = arith.constant 128 : i32
      %scan3A_23 = arith.addi %scan3A_21, %scan3A_22 : i32
      %scan3A_24 = arith.constant 1 : i32
      %scan3A_25 = scf.for %scan3A_27 = %scan3A_21 to %scan3A_23 step %scan3A_24 iter_args(%scan3A_28 = %scan3A_17) -> (vector<16xf32>)  : i32 {
        %mul3A_29 = arith.constant 16 : i32
        %mul3A_30 = arith.muli %scan3A_27, %mul3A_29 : i32
        %get3A = arith.index_cast %mul3A_30 : i32 to index
        %get3A_31 = tpu.vector_load %arg10[%get3A] {strides = array<i32>} : memref<2048xi32, #tpu.memory_space<vmem>>, vector<16xi32>,
        %mul3A_32 = arith.constant 16 : i32
        %mul3A_33 = arith.muli %scan3A_27, %mul3A_32 : i32
        %get3A_34 = arith.index_cast %mul3A_33 : i32 to index
        %get3A_35 = tpu.vector_load %arg11[%get3A_34] {strides = array<i32>} : memref<2048xi32, #tpu.memory_space<vmem>>, vector<16xi32>,
        %mul3A_36 = arith.constant 16 : i32
        %mul3A_37 = arith.muli %scan3A_27, %mul3A_36 : i32
        %get3A_38 = arith.index_cast %mul3A_37 : i32 to index
        %get3A_39 = tpu.vector_load %arg12[%get3A_38] {strides = array<i32>} : memref<2048xf32, #tpu.memory_space<vmem>>, vector<16xf32>,
        %eq3A = arith.cmpi eq, %get3A_31, %get3A_35 : vector<16xi32>
        tpu.vector_store_idx %arg8[%get3A_31], %get3A_39 masked %eq3A : memref<16384xf32, #tpu.memory_space<vmem>>[vector<16xi32>], vector<16xf32>, vector<16xi1>
        %mul3A_40 = arith.constant 16 : i32
        %mul3A_41 = arith.muli %scan3A_27, %mul3A_40 : i32
        %add3A_42 = arith.addi %add3A_20, %mul3A_41 : i32
        %add3A_43 = vector.broadcast %add3A_42 : i32 to vector<16xi32>
        %add3A_44 = arith.addi %iota3A, %add3A_43 : vector<16xi32>
        tpu.vector_store_idx %arg9[%get3A_31], %add3A_44 masked %eq3A : memref<16384xi32, #tpu.memory_space<vmem>>[vector<16xi32>], vector<16xi32>, vector<16xi1>
        %abs3A = math.absf %get3A_39 : vector<16xf32>
        %max3A = arith.maximumf %scan3A_28, %abs3A : vector<16xf32>
        scf.yield %max3A : vector<16xf32>
      }
      %scan3A_26 = arith.constant 128 : i32
      scf.yield %scan3A_25 : vector<16xf32>
    }
    %scan3A_14 = arith.constant 41 : i32
    %swap3A = arith.constant 0 : index
    %swap3A_15 = tpu.vector_load %arg13[%swap3A] {strides = array<i32>} : memref<16xf32, #tpu.memory_space<vmem>>, vector<16xf32>,
    tpu.vector_store %arg13[%swap3A], %scan3A_13 {strides = array<i32>} : memref<16xf32, #tpu.memory_space<vmem>>, vector<16xf32>,
    "tpu.region"() ({
      %run_scoped3A = tpu.sem_alloc : memref<!tpu.dma_semaphore, #tpu.memory_space<semaphore_mem>>
      %dma_start3A = arith.constant 0 : i32
      %dma_start3A_16 = tpu.memref_slice %arg5[%add3A, %dma_start3A] : memref<32x16384xf32, #tpu.memory_space<hbm>> -> memref<1x16384xf32, #tpu.memory_space<hbm>>
      %dma_start3A_17 = tpu.memref_squeeze %dma_start3A_16 : memref<1x16384xf32, #tpu.memory_space<hbm>> -> memref<16384xf32, #tpu.memory_space<hbm>>
      %dma_start3A_18 = arith.constant 0 : i32
      %dma_start3A_19 = tpu.memref_slice %arg5[%add3A, %dma_start3A_18] : memref<32x16384xf32, #tpu.memory_space<hbm>> -> memref<1x16384xf32, #tpu.memory_space<hbm>>
      %dma_start3A_20 = tpu.memref_squeeze %dma_start3A_19 : memref<1x16384xf32, #tpu.memory_space<hbm>> -> memref<16384xf32, #tpu.memory_space<hbm>>
      tpu.enqueue_dma source(%arg8 : memref<16384xf32, #tpu.memory_space<vmem>>) target(%dma_start3A_20 : memref<16384xf32, #tpu.memory_space<hbm>>) target_semaphore(%run_scoped3A : memref<!tpu.dma_semaphore, #tpu.memory_space<semaphore_mem>>)
      %dma_wait3A = arith.constant 0 : i32
      %dma_wait3A_21 = tpu.memref_slice %arg5[%add3A, %dma_wait3A] : memref<32x16384xf32, #tpu.memory_space<hbm>> -> memref<1x16384xf32, #tpu.memory_space<hbm>>
      %dma_wait3A_22 = tpu.memref_squeeze %dma_wait3A_21 : memref<1x16384xf32, #tpu.memory_space<hbm>> -> memref<16384xf32, #tpu.memory_space<hbm>>
      %dma_wait3A_23 = arith.constant 0 : i32
      %dma_wait3A_24 = tpu.memref_slice %arg5[%add3A, %dma_wait3A_23] : memref<32x16384xf32, #tpu.memory_space<hbm>> -> memref<1x16384xf32, #tpu.memory_space<hbm>>
      %dma_wait3A_25 = tpu.memref_squeeze %dma_wait3A_24 : memref<1x16384xf32, #tpu.memory_space<hbm>> -> memref<16384xf32, #tpu.memory_space<hbm>>
      tpu.wait_dma2 semaphore(%run_scoped3A : memref<!tpu.dma_semaphore, #tpu.memory_space<semaphore_mem>>) src(%arg8 : memref<16384xf32, #tpu.memory_space<vmem>>) dst(%dma_wait3A_25 : memref<16384xf32, #tpu.memory_space<hbm>>)
      tpu.yield
    }) : () -> ()
    "tpu.region"() ({
      %run_scoped3A = tpu.sem_alloc : memref<!tpu.dma_semaphore, #tpu.memory_space<semaphore_mem>>
      %dma_start3A = arith.constant 0 : i32
      %dma_start3A_16 = tpu.memref_slice %arg6[%add3A, %dma_start3A] : memref<32x16384xi32, #tpu.memory_space<hbm>> -> memref<1x16384xi32, #tpu.memory_space<hbm>>
      %dma_start3A_17 = tpu.memref_squeeze %dma_start3A_16 : memref<1x16384xi32, #tpu.memory_space<hbm>> -> memref<16384xi32, #tpu.memory_space<hbm>>
      %dma_start3A_18 = arith.constant 0 : i32
      %dma_start3A_19 = tpu.memref_slice %arg6[%add3A, %dma_start3A_18] : memref<32x16384xi32, #tpu.memory_space<hbm>> -> memref<1x16384xi32, #tpu.memory_space<hbm>>
      %dma_start3A_20 = tpu.memref_squeeze %dma_start3A_19 : memref<1x16384xi32, #tpu.memory_space<hbm>> -> memref<16384xi32, #tpu.memory_space<hbm>>
      tpu.enqueue_dma source(%arg9 : memref<16384xi32, #tpu.memory_space<vmem>>) target(%dma_start3A_20 : memref<16384xi32, #tpu.memory_space<hbm>>) target_semaphore(%run_scoped3A : memref<!tpu.dma_semaphore, #tpu.memory_space<semaphore_mem>>)
      %dma_wait3A = arith.constant 0 : i32
      %dma_wait3A_21 = tpu.memref_slice %arg6[%add3A, %dma_wait3A] : memref<32x16384xi32, #tpu.memory_space<hbm>> -> memref<1x16384xi32, #tpu.memory_space<hbm>>
      %dma_wait3A_22 = tpu.memref_squeeze %dma_wait3A_21 : memref<1x16384xi32, #tpu.memory_space<hbm>> -> memref<16384xi32, #tpu.memory_space<hbm>>
      %dma_wait3A_23 = arith.constant 0 : i32
      %dma_wait3A_24 = tpu.memref_slice %arg6[%add3A, %dma_wait3A_23] : memref<32x16384xi32, #tpu.memory_space<hbm>> -> memref<1x16384xi32, #tpu.memory_space<hbm>>
      %dma_wait3A_25 = tpu.memref_squeeze %dma_wait3A_24 : memref<1x16384xi32, #tpu.memory_space<hbm>> -> memref<16384xi32, #tpu.memory_space<hbm>>
      tpu.wait_dma2 semaphore(%run_scoped3A : memref<!tpu.dma_semaphore, #tpu.memory_space<semaphore_mem>>) src(%arg9 : memref<16384xi32, #tpu.memory_space<vmem>>) dst(%dma_wait3A_25 : memref<16384xi32, #tpu.memory_space<hbm>>)
      tpu.yield
    }) : () -> ()
    "tpu.region"() ({
      %run_scoped3A = tpu.sem_alloc : memref<!tpu.dma_semaphore, #tpu.memory_space<semaphore_mem>>
      %dma_start3A = arith.constant 0 : i32
      %dma_start3A_16 = tpu.memref_slice %arg7[%add3A, %dma_start3A] : memref<32x16xf32, #tpu.memory_space<hbm>> -> memref<1x16xf32, #tpu.memory_space<hbm>>
      %dma_start3A_17 = tpu.memref_squeeze %dma_start3A_16 : memref<1x16xf32, #tpu.memory_space<hbm>> -> memref<16xf32, #tpu.memory_space<hbm>>
      %dma_start3A_18 = arith.constant 0 : i32
      %dma_start3A_19 = tpu.memref_slice %arg7[%add3A, %dma_start3A_18] : memref<32x16xf32, #tpu.memory_space<hbm>> -> memref<1x16xf32, #tpu.memory_space<hbm>>
      %dma_start3A_20 = tpu.memref_squeeze %dma_start3A_19 : memref<1x16xf32, #tpu.memory_space<hbm>> -> memref<16xf32, #tpu.memory_space<hbm>>
      tpu.enqueue_dma source(%arg13 : memref<16xf32, #tpu.memory_space<vmem>>) target(%dma_start3A_20 : memref<16xf32, #tpu.memory_space<hbm>>) target_semaphore(%run_scoped3A : memref<!tpu.dma_semaphore, #tpu.memory_space<semaphore_mem>>)
      %dma_wait3A = arith.constant 0 : i32
      %dma_wait3A_21 = tpu.memref_slice %arg7[%add3A, %dma_wait3A] : memref<32x16xf32, #tpu.memory_space<hbm>> -> memref<1x16xf32, #tpu.memory_space<hbm>>
      %dma_wait3A_22 = tpu.memref_squeeze %dma_wait3A_21 : memref<1x16xf32, #tpu.memory_space<hbm>> -> memref<16xf32, #tpu.memory_space<hbm>>
      %dma_wait3A_23 = arith.constant 0 : i32
      %dma_wait3A_24 = tpu.memref_slice %arg7[%add3A, %dma_wait3A_23] : memref<32x16xf32, #tpu.memory_space<hbm>> -> memref<1x16xf32, #tpu.memory_space<hbm>>
      %dma_wait3A_25 = tpu.memref_squeeze %dma_wait3A_24 : memref<1x16xf32, #tpu.memory_space<hbm>> -> memref<16xf32, #tpu.memory_space<hbm>>
      tpu.wait_dma2 semaphore(%run_scoped3A : memref<!tpu.dma_semaphore, #tpu.memory_space<semaphore_mem>>) src(%arg13 : memref<16xf32, #tpu.memory_space<vmem>>) dst(%dma_wait3A_25 : memref<16xf32, #tpu.memory_space<hbm>>)
      tpu.yield
    }) : () -> ()
    return
  }
}

#map = affine_map<(d0, d1) -> (0)>
#map1 = affine_map<(d0, d1) -> (0, 0)>
module attributes {stable_mosaic.version = 14 : i64} {
  func.func @spmv_kernel(%arg0: i32, %arg1: i32, %arg2: memref<2686976xi32, #tpu.memory_space<hbm>>, %arg3: memref<2686976xi32, #tpu.memory_space<hbm>>, %arg4: memref<2686976xf32, #tpu.memory_space<hbm>>, %arg5: memref<16384xf32, #tpu.memory_space<hbm>>, %arg6: memref<32x16384xf32, #tpu.memory_space<hbm>>, %arg7: memref<16384xf32, #tpu.memory_space<vmem>>, %arg8: memref<16384xf32, #tpu.memory_space<vmem>>, %arg9: memref<2048xi32, #tpu.memory_space<vmem>>, %arg10: memref<2048xi32, #tpu.memory_space<vmem>>, %arg11: memref<2048xf32, #tpu.memory_space<vmem>>) attributes {dimension_semantics = [#tpu.dimension_semantics<core_parallel>, #tpu.dimension_semantics<subcore_parallel>], iteration_bounds = array<i64: 2, 16>, scalar_prefetch = 0 : i64, scratch_operands = 5 : i64, tpu.core_type = #tpu.core_type<sc_vector_subcore>, window_params = [{transform_indices = #map}, {transform_indices = #map}, {transform_indices = #map}, {transform_indices = #map}, {transform_indices = #map1}]} {
    %mul3A = arith.constant 2 : i32
    %mul3A_0 = arith.muli %arg1, %mul3A : i32
    %add3A = arith.addi %mul3A_0, %arg0 : i32
    %mul3A_1 = arith.constant 83968 : i32
    %mul3A_2 = arith.muli %add3A, %mul3A_1 : i32
    "tpu.region"() ({
      %run_scoped3A = tpu.sem_alloc : memref<!tpu.dma_semaphore, #tpu.memory_space<semaphore_mem>>
      tpu.enqueue_dma source(%arg5 : memref<16384xf32, #tpu.memory_space<hbm>>) target(%arg7 : memref<16384xf32, #tpu.memory_space<vmem>>) target_semaphore(%run_scoped3A : memref<!tpu.dma_semaphore, #tpu.memory_space<semaphore_mem>>)
      tpu.wait_dma2 semaphore(%run_scoped3A : memref<!tpu.dma_semaphore, #tpu.memory_space<semaphore_mem>>) src(%arg5 : memref<16384xf32, #tpu.memory_space<hbm>>) dst(%arg7 : memref<16384xf32, #tpu.memory_space<vmem>>)
      tpu.yield
    }) : () -> ()
    %scan3A = arith.constant 0 : i32
    %scan3A_3 = arith.constant 0 : i32
    %scan3A_4 = arith.constant 1024 : i32
    %scan3A_5 = arith.addi %scan3A_3, %scan3A_4 : i32
    %scan3A_6 = arith.constant 1 : i32
    scf.for %scan3A_14 = %scan3A_3 to %scan3A_5 step %scan3A_6  : i32 {
      %broadcast_in_dim3A = arith.constant 0.000000e+00 : f32
      %broadcast_in_dim3A_15 = vector.broadcast %broadcast_in_dim3A : f32 to vector<16xf32>
      %mul3A_16 = arith.constant 16 : i32
      %mul3A_17 = arith.muli %scan3A_14, %mul3A_16 : i32
      %swap3A = arith.index_cast %mul3A_17 : i32 to index
      %swap3A_18 = tpu.vector_load %arg8[%swap3A] {strides = array<i32>} : memref<16384xf32, #tpu.memory_space<vmem>>, vector<16xf32>,
      tpu.vector_store %arg8[%swap3A], %broadcast_in_dim3A_15 {strides = array<i32>} : memref<16384xf32, #tpu.memory_space<vmem>>, vector<16xf32>,
    }
    %scan3A_7 = arith.constant 1024 : i32
    %scan3A_8 = arith.constant 0 : i32
    %scan3A_9 = arith.constant 0 : i32
    %scan3A_10 = arith.constant 41 : i32
    %scan3A_11 = arith.addi %scan3A_9, %scan3A_10 : i32
    %scan3A_12 = arith.constant 1 : i32
    scf.for %scan3A_14 = %scan3A_9 to %scan3A_11 step %scan3A_12  : i32 {
      %mul3A_15 = arith.constant 2048 : i32
      %mul3A_16 = arith.muli %scan3A_14, %mul3A_15 : i32
      %add3A_17 = arith.addi %mul3A_2, %mul3A_16 : i32
      "tpu.region"() ({
        %run_scoped3A = tpu.sem_alloc : memref<!tpu.dma_semaphore, #tpu.memory_space<semaphore_mem>>
        %dma_start3A = tpu.memref_slice %arg2[%add3A_17] : memref<2686976xi32, #tpu.memory_space<hbm>> -> memref<2048xi32, #tpu.memory_space<hbm>>
        %dma_start3A_23 = tpu.memref_slice %arg2[%add3A_17] : memref<2686976xi32, #tpu.memory_space<hbm>> -> memref<2048xi32, #tpu.memory_space<hbm>>
        tpu.enqueue_dma source(%dma_start3A_23 : memref<2048xi32, #tpu.memory_space<hbm>>) target(%arg9 : memref<2048xi32, #tpu.memory_space<vmem>>) target_semaphore(%run_scoped3A : memref<!tpu.dma_semaphore, #tpu.memory_space<semaphore_mem>>)
        %dma_wait3A = tpu.memref_slice %arg2[%add3A_17] : memref<2686976xi32, #tpu.memory_space<hbm>> -> memref<2048xi32, #tpu.memory_space<hbm>>
        %dma_wait3A_24 = tpu.memref_slice %arg2[%add3A_17] : memref<2686976xi32, #tpu.memory_space<hbm>> -> memref<2048xi32, #tpu.memory_space<hbm>>
        tpu.wait_dma2 semaphore(%run_scoped3A : memref<!tpu.dma_semaphore, #tpu.memory_space<semaphore_mem>>) src(%dma_wait3A_24 : memref<2048xi32, #tpu.memory_space<hbm>>) dst(%arg9 : memref<2048xi32, #tpu.memory_space<vmem>>)
        tpu.yield
      }) : () -> ()
      "tpu.region"() ({
        %run_scoped3A = tpu.sem_alloc : memref<!tpu.dma_semaphore, #tpu.memory_space<semaphore_mem>>
        %dma_start3A = tpu.memref_slice %arg3[%add3A_17] : memref<2686976xi32, #tpu.memory_space<hbm>> -> memref<2048xi32, #tpu.memory_space<hbm>>
        %dma_start3A_23 = tpu.memref_slice %arg3[%add3A_17] : memref<2686976xi32, #tpu.memory_space<hbm>> -> memref<2048xi32, #tpu.memory_space<hbm>>
        tpu.enqueue_dma source(%dma_start3A_23 : memref<2048xi32, #tpu.memory_space<hbm>>) target(%arg10 : memref<2048xi32, #tpu.memory_space<vmem>>) target_semaphore(%run_scoped3A : memref<!tpu.dma_semaphore, #tpu.memory_space<semaphore_mem>>)
        %dma_wait3A = tpu.memref_slice %arg3[%add3A_17] : memref<2686976xi32, #tpu.memory_space<hbm>> -> memref<2048xi32, #tpu.memory_space<hbm>>
        %dma_wait3A_24 = tpu.memref_slice %arg3[%add3A_17] : memref<2686976xi32, #tpu.memory_space<hbm>> -> memref<2048xi32, #tpu.memory_space<hbm>>
        tpu.wait_dma2 semaphore(%run_scoped3A : memref<!tpu.dma_semaphore, #tpu.memory_space<semaphore_mem>>) src(%dma_wait3A_24 : memref<2048xi32, #tpu.memory_space<hbm>>) dst(%arg10 : memref<2048xi32, #tpu.memory_space<vmem>>)
        tpu.yield
      }) : () -> ()
      "tpu.region"() ({
        %run_scoped3A = tpu.sem_alloc : memref<!tpu.dma_semaphore, #tpu.memory_space<semaphore_mem>>
        %dma_start3A = tpu.memref_slice %arg4[%add3A_17] : memref<2686976xf32, #tpu.memory_space<hbm>> -> memref<2048xf32, #tpu.memory_space<hbm>>
        %dma_start3A_23 = tpu.memref_slice %arg4[%add3A_17] : memref<2686976xf32, #tpu.memory_space<hbm>> -> memref<2048xf32, #tpu.memory_space<hbm>>
        tpu.enqueue_dma source(%dma_start3A_23 : memref<2048xf32, #tpu.memory_space<hbm>>) target(%arg11 : memref<2048xf32, #tpu.memory_space<vmem>>) target_semaphore(%run_scoped3A : memref<!tpu.dma_semaphore, #tpu.memory_space<semaphore_mem>>)
        %dma_wait3A = tpu.memref_slice %arg4[%add3A_17] : memref<2686976xf32, #tpu.memory_space<hbm>> -> memref<2048xf32, #tpu.memory_space<hbm>>
        %dma_wait3A_24 = tpu.memref_slice %arg4[%add3A_17] : memref<2686976xf32, #tpu.memory_space<hbm>> -> memref<2048xf32, #tpu.memory_space<hbm>>
        tpu.wait_dma2 semaphore(%run_scoped3A : memref<!tpu.dma_semaphore, #tpu.memory_space<semaphore_mem>>) src(%dma_wait3A_24 : memref<2048xf32, #tpu.memory_space<hbm>>) dst(%arg11 : memref<2048xf32, #tpu.memory_space<vmem>>)
        tpu.yield
      }) : () -> ()
      %scan3A_18 = arith.constant 0 : i32
      %scan3A_19 = arith.constant 128 : i32
      %scan3A_20 = arith.addi %scan3A_18, %scan3A_19 : i32
      %scan3A_21 = arith.constant 1 : i32
      scf.for %scan3A_23 = %scan3A_18 to %scan3A_20 step %scan3A_21  : i32 {
        %mul3A_24 = arith.constant 16 : i32
        %mul3A_25 = arith.muli %scan3A_23, %mul3A_24 : i32
        %get3A = arith.index_cast %mul3A_25 : i32 to index
        %get3A_26 = tpu.vector_load %arg9[%get3A] {strides = array<i32>} : memref<2048xi32, #tpu.memory_space<vmem>>, vector<16xi32>,
        %mul3A_27 = arith.constant 16 : i32
        %mul3A_28 = arith.muli %scan3A_23, %mul3A_27 : i32
        %get3A_29 = arith.index_cast %mul3A_28 : i32 to index
        %get3A_30 = tpu.vector_load %arg10[%get3A_29] {strides = array<i32>} : memref<2048xi32, #tpu.memory_space<vmem>>, vector<16xi32>,
        %mul3A_31 = arith.constant 16 : i32
        %mul3A_32 = arith.muli %scan3A_23, %mul3A_31 : i32
        %get3A_33 = arith.index_cast %mul3A_32 : i32 to index
        %get3A_34 = tpu.vector_load %arg11[%get3A_33] {strides = array<i32>} : memref<2048xf32, #tpu.memory_space<vmem>>, vector<16xf32>,
        %gather3A = tpu.vector_load_idx %arg7[%get3A_30] : memref<16384xf32, #tpu.memory_space<vmem>>[vector<16xi32>], vector<16xf32>,
        %mul3A_35 = arith.mulf %get3A_34, %gather3A : vector<16xf32>
        tpu.vector_store_idx %arg8[%get3A_26], %mul3A_35 {add = true} : memref<16384xf32, #tpu.memory_space<vmem>>[vector<16xi32>], vector<16xf32>,
      }
      %scan3A_22 = arith.constant 128 : i32
    }
    %scan3A_13 = arith.constant 41 : i32
    "tpu.region"() ({
      %run_scoped3A = tpu.sem_alloc : memref<!tpu.dma_semaphore, #tpu.memory_space<semaphore_mem>>
      %dma_start3A = arith.constant 0 : i32
      %dma_start3A_14 = tpu.memref_slice %arg6[%add3A, %dma_start3A] : memref<32x16384xf32, #tpu.memory_space<hbm>> -> memref<1x16384xf32, #tpu.memory_space<hbm>>
      %dma_start3A_15 = tpu.memref_squeeze %dma_start3A_14 : memref<1x16384xf32, #tpu.memory_space<hbm>> -> memref<16384xf32, #tpu.memory_space<hbm>>
      %dma_start3A_16 = arith.constant 0 : i32
      %dma_start3A_17 = tpu.memref_slice %arg6[%add3A, %dma_start3A_16] : memref<32x16384xf32, #tpu.memory_space<hbm>> -> memref<1x16384xf32, #tpu.memory_space<hbm>>
      %dma_start3A_18 = tpu.memref_squeeze %dma_start3A_17 : memref<1x16384xf32, #tpu.memory_space<hbm>> -> memref<16384xf32, #tpu.memory_space<hbm>>
      tpu.enqueue_dma source(%arg8 : memref<16384xf32, #tpu.memory_space<vmem>>) target(%dma_start3A_18 : memref<16384xf32, #tpu.memory_space<hbm>>) target_semaphore(%run_scoped3A : memref<!tpu.dma_semaphore, #tpu.memory_space<semaphore_mem>>)
      %dma_wait3A = arith.constant 0 : i32
      %dma_wait3A_19 = tpu.memref_slice %arg6[%add3A, %dma_wait3A] : memref<32x16384xf32, #tpu.memory_space<hbm>> -> memref<1x16384xf32, #tpu.memory_space<hbm>>
      %dma_wait3A_20 = tpu.memref_squeeze %dma_wait3A_19 : memref<1x16384xf32, #tpu.memory_space<hbm>> -> memref<16384xf32, #tpu.memory_space<hbm>>
      %dma_wait3A_21 = arith.constant 0 : i32
      %dma_wait3A_22 = tpu.memref_slice %arg6[%add3A, %dma_wait3A_21] : memref<32x16384xf32, #tpu.memory_space<hbm>> -> memref<1x16384xf32, #tpu.memory_space<hbm>>
      %dma_wait3A_23 = tpu.memref_squeeze %dma_wait3A_22 : memref<1x16384xf32, #tpu.memory_space<hbm>> -> memref<16384xf32, #tpu.memory_space<hbm>>
      tpu.wait_dma2 semaphore(%run_scoped3A : memref<!tpu.dma_semaphore, #tpu.memory_space<semaphore_mem>>) src(%arg8 : memref<16384xf32, #tpu.memory_space<vmem>>) dst(%dma_wait3A_23 : memref<16384xf32, #tpu.memory_space<hbm>>)
      tpu.yield
    }) : () -> ()
    return
  }
}

module attributes {stable_mosaic.version = 14 : i64} {
  func.func @_mlp_body(%arg0: i32, %arg1: memref<32x2048xf32, #tpu.memory_space<vmem>>, %arg2: memref<32x2048xi32, #tpu.memory_space<vmem>>, %arg3: memref<32x16xf32, #tpu.memory_space<vmem>>, %arg4: memref<1x2048xf32, #tpu.memory_space<vmem>>, %arg5: memref<2x1024xf32, #tpu.memory_space<vmem>>, %arg6: memref<1x1024xf32, #tpu.memory_space<vmem>>, %arg7: memref<1024x1024xf32, #tpu.memory_space<vmem>>, %arg8: memref<1x1024xf32, #tpu.memory_space<vmem>>, %arg9: memref<1024x1xf32, #tpu.memory_space<vmem>>, %arg10: memref<1x1xf32, #tpu.memory_space<vmem>>, %arg11: memref<1x2048xf32, #tpu.memory_space<vmem>>) attributes {dimension_semantics = [#tpu.dimension_semantics<arbitrary>], iteration_bounds = array<i64: 8>, scalar_prefetch = 0 : i64, scratch_operands = 0 : i64, tpu.core_type = #tpu.core_type<tc>, window_params = [{transform_indices = @transform_0, window_bounds = array<i64: 32, 2048>}, {transform_indices = @transform_1, window_bounds = array<i64: 32, 2048>}, {pipeline_mode = #tpu.pipeline_mode<synchronous>, transform_indices = @transform_2, window_bounds = array<i64: 32, 16>}, {transform_indices = @transform_3, window_bounds = array<i64: 1, 2048>}, {pipeline_mode = #tpu.pipeline_mode<synchronous>, transform_indices = @transform_4, window_bounds = array<i64: 2, 1024>}, {pipeline_mode = #tpu.pipeline_mode<synchronous>, transform_indices = @transform_5, window_bounds = array<i64: 1, 1024>}, {pipeline_mode = #tpu.pipeline_mode<synchronous>, transform_indices = @transform_6, window_bounds = array<i64: 1024, 1024>}, {pipeline_mode = #tpu.pipeline_mode<synchronous>, transform_indices = @transform_7, window_bounds = array<i64: 1, 1024>}, {pipeline_mode = #tpu.pipeline_mode<synchronous>, transform_indices = @transform_8, window_bounds = array<i64: 1024, 1>}, {pipeline_mode = #tpu.pipeline_mode<synchronous>, transform_indices = @transform_9, window_bounds = array<i64: 1, 1>}, {transform_indices = @transform_10, window_bounds = array<i64: 1, 2048>}]} {
    %get3A = arith.constant 0 : index
    %get3A_0 = arith.constant 0 : index
    %get3A_1 = vector.load %arg3[%get3A, %get3A_0] : memref<32x16xf32, #tpu.memory_space<vmem>>, vector<32x16xf32>
    %reduce_max3A = vector.shape_cast %get3A_1 : vector<32x16xf32> to vector<1x32x16xf32>
    %reduce_max3A_2 = arith.constant dense<0xFF800000> : vector<1xf32>
    %reduce_max3A_3 = vector.multi_reduction <maximumf>, %reduce_max3A, %reduce_max3A_2 [1, 2] : vector<1x32x16xf32> to vector<1xf32>
    %reduce_max3A_4 = vector.shape_cast %reduce_max3A_3 : vector<1xf32> to vector<1x1x1xf32>
    %reduce_max3A_5 = vector.extract %reduce_max3A_4[0, 0, 0] : f32 from vector<1x1x1xf32>
    %max3A = arith.constant 1.000000e-16 : f32
    %max3A_6 = arith.maximumf %reduce_max3A_5, %max3A : f32
    %get3A_7 = arith.constant 0 : index
    %get3A_8 = arith.constant 0 : index
    %get3A_9 = vector.load %arg2[%get3A_7, %get3A_8] : memref<32x2048xi32, #tpu.memory_space<vmem>>, vector<32x2048xi32>
    %get3A_10 = arith.constant 0 : index
    %get3A_11 = arith.constant 0 : index
    %get3A_12 = vector.load %arg1[%get3A_10, %get3A_11] : memref<32x2048xf32, #tpu.memory_space<vmem>>, vector<32x2048xf32>
    %reduce_max3A_13 = arith.constant dense<-2147483648> : vector<2048xi32>
    %reduce_max3A_14 = vector.multi_reduction <maxsi>, %get3A_9, %reduce_max3A_13 [0] : vector<32x2048xi32> to vector<2048xi32>
    %broadcast_in_dim3A = vector.shape_cast %reduce_max3A_14 : vector<2048xi32> to vector<1x2048xi32>
    %eq3A = vector.broadcast %broadcast_in_dim3A : vector<1x2048xi32> to vector<32x2048xi32>
    %eq3A_15 = arith.cmpi eq, %get3A_9, %eq3A : vector<32x2048xi32>
    %jit3A = arith.constant 0.000000e+00 : f32
    %broadcast_in_dim3A_16 = vector.broadcast %jit3A : f32 to vector<32x2048xf32>
    %select_n3A = arith.select %eq3A_15, %get3A_12, %broadcast_in_dim3A_16 : vector<32x2048xi1>, vector<32x2048xf32>
    %reduce_sum3A = arith.constant dense<0.000000e+00> : vector<2048xf32>
    %reduce_sum3A_17 = vector.multi_reduction <add>, %select_n3A, %reduce_sum3A [0] : vector<32x2048xf32> to vector<2048xf32>
    %get3A_18 = arith.constant 0 : index
    %get3A_19 = arith.constant 0 : index
    %get3A_20 = vector.load %arg4[%get3A_18, %get3A_19] : memref<1x2048xf32, #tpu.memory_space<vmem>>, vector<1x2048xf32>
    %get3A_21 = vector.shape_cast %get3A_20 : vector<1x2048xf32> to vector<2048xf32>
    %div3A = vector.broadcast %max3A_6 : f32 to vector<2048xf32>
    %div3A_22 = arith.divf %get3A_21, %div3A : vector<2048xf32>
    %stack3A = vector.shape_cast %div3A_22 : vector<2048xf32> to vector<2048x1xf32>
    %stack3A_23 = vector.shape_cast %reduce_sum3A_17 : vector<2048xf32> to vector<2048x1xf32>
    %stack3A_24 = tpu.concatenate %stack3A, %stack3A_23 in 1 : vector<2048x1xf32>, vector<2048x1xf32> -> vector<2048x2xf32>
    %get3A_25 = arith.constant 0 : index
    %get3A_26 = arith.constant 0 : index
    %get3A_27 = vector.load %arg5[%get3A_25, %get3A_26] : memref<2x1024xf32, #tpu.memory_space<vmem>>, vector<2x1024xf32>
    %dot_general3A = arith.constant dense<0.000000e+00> : vector<2048x1024xf32>
    %dot_general3A_28 = tpu.matmul %stack3A_24, %get3A_27, %dot_general3A {dimension_numbers = #tpu.dot_dimension_numbers<[1], [0], [0], [1], [0, 0, 1, 1], [], []>, transpose_lhs_hint = false} : vector<2048x2xf32>, vector<2x1024xf32>, vector<2048x1024xf32> -> vector<2048x1024xf32>
    %get3A_29 = arith.constant 0 : index
    %get3A_30 = arith.constant 0 : index
    %get3A_31 = vector.load %arg6[%get3A_29, %get3A_30] : memref<1x1024xf32, #tpu.memory_space<vmem>>, vector<1x1024xf32>
    %get3A_32 = vector.shape_cast %get3A_31 : vector<1x1024xf32> to vector<1024xf32>
    %broadcast_in_dim3A_33 = vector.shape_cast %get3A_32 : vector<1024xf32> to vector<1x1024xf32>
    %add3A = vector.broadcast %broadcast_in_dim3A_33 : vector<1x1024xf32> to vector<2048x1024xf32>
    %add3A_34 = arith.addf %dot_general3A_28, %add3A : vector<2048x1024xf32>
    %max3A_35 = arith.constant 0.000000e+00 : f32
    %max3A_36 = vector.broadcast %max3A_35 : f32 to vector<2048x1024xf32>
    %max3A_37 = arith.maximumf %add3A_34, %max3A_36 : vector<2048x1024xf32>
    %get3A_38 = arith.constant 0 : index
    %get3A_39 = arith.constant 0 : index
    %get3A_40 = vector.load %arg7[%get3A_38, %get3A_39] : memref<1024x1024xf32, #tpu.memory_space<vmem>>, vector<1024x1024xf32>
    %dot_general3A_41 = arith.constant dense<0.000000e+00> : vector<2048x1024xf32>
    %dot_general3A_42 = tpu.matmul %max3A_37, %get3A_40, %dot_general3A_41 {dimension_numbers = #tpu.dot_dimension_numbers<[1], [0], [0], [1], [0, 0, 1, 1], [], []>, transpose_lhs_hint = false} : vector<2048x1024xf32>, vector<1024x1024xf32>, vector<2048x1024xf32> -> vector<2048x1024xf32>
    %get3A_43 = arith.constant 0 : index
    %get3A_44 = arith.constant 0 : index
    %get3A_45 = vector.load %arg8[%get3A_43, %get3A_44] : memref<1x1024xf32, #tpu.memory_space<vmem>>, vector<1x1024xf32>
    %get3A_46 = vector.shape_cast %get3A_45 : vector<1x1024xf32> to vector<1024xf32>
    %broadcast_in_dim3A_47 = vector.shape_cast %get3A_46 : vector<1024xf32> to vector<1x1024xf32>
    %add3A_48 = vector.broadcast %broadcast_in_dim3A_47 : vector<1x1024xf32> to vector<2048x1024xf32>
    %add3A_49 = arith.addf %dot_general3A_42, %add3A_48 : vector<2048x1024xf32>
    %max3A_50 = arith.constant 0.000000e+00 : f32
    %max3A_51 = vector.broadcast %max3A_50 : f32 to vector<2048x1024xf32>
    %max3A_52 = arith.maximumf %add3A_49, %max3A_51 : vector<2048x1024xf32>
    %get3A_53 = arith.constant 0 : index
    %get3A_54 = arith.constant 0 : index
    %get3A_55 = vector.load %arg9[%get3A_53, %get3A_54] : memref<1024x1xf32, #tpu.memory_space<vmem>>, vector<1024x1xf32>
    %dot_general3A_56 = arith.constant dense<0.000000e+00> : vector<2048x1xf32>
    %dot_general3A_57 = tpu.matmul %max3A_52, %get3A_55, %dot_general3A_56 {dimension_numbers = #tpu.dot_dimension_numbers<[1], [0], [0], [1], [0, 0, 1, 1], [], []>, transpose_lhs_hint = false} : vector<2048x1024xf32>, vector<1024x1xf32>, vector<2048x1xf32> -> vector<2048x1xf32>
    %squeeze3A = vector.shape_cast %dot_general3A_57 : vector<2048x1xf32> to vector<2048xf32>
    %get3A_58 = arith.constant 0 : index
    %get3A_59 = arith.constant 0 : index
    %get3A_60 = vector.load %arg10[%get3A_58, %get3A_59] : memref<1x1xf32, #tpu.memory_space<vmem>>, vector<1x1xf32>
    %get3A_61 = vector.extract %get3A_60[0, 0] : f32 from vector<1x1xf32>
    %add3A_62 = vector.broadcast %get3A_61 : f32 to vector<2048xf32>
    %add3A_63 = arith.addf %squeeze3A, %add3A_62 : vector<2048xf32>
    %swap3A = arith.constant 0 : index
    %swap3A_64 = arith.constant 0 : index
    %swap3A_65 = vector.load %arg11[%swap3A, %swap3A_64] : memref<1x2048xf32, #tpu.memory_space<vmem>>, vector<1x2048xf32>
    %swap3A_66 = vector.shape_cast %swap3A_65 : vector<1x2048xf32> to vector<2048xf32>
    %swap3A_67 = vector.shape_cast %add3A_63 : vector<2048xf32> to vector<1x2048xf32>
    tpu.vector_store %arg11[%swap3A, %swap3A_64], %swap3A_67 {strides = array<i32>} : memref<1x2048xf32, #tpu.memory_space<vmem>>, vector<1x2048xf32>,
    return
  }
  func.func @transform_0(%arg0: i32) -> (i32, i32) {
    %c0_i32 = arith.constant 0 : i32
    %c0_i32_0 = arith.constant 0 : i32
    return %c0_i32, %arg0 : i32, i32
  }
  func.func @transform_1(%arg0: i32) -> (i32, i32) {
    %c0_i32 = arith.constant 0 : i32
    %c0_i32_0 = arith.constant 0 : i32
    return %c0_i32, %arg0 : i32, i32
  }
  func.func @transform_2(%arg0: i32) -> (i32, i32) {
    %c0_i32 = arith.constant 0 : i32
    %c0_i32_0 = arith.constant 0 : i32
    %c0_i32_1 = arith.constant 0 : i32
    return %c0_i32, %c0_i32_0 : i32, i32
  }
  func.func @transform_3(%arg0: i32) -> (i32, i32) {
    %c0_i32 = arith.constant 0 : i32
    %c0_i32_0 = arith.constant 0 : i32
    return %c0_i32, %arg0 : i32, i32
  }
  func.func @transform_4(%arg0: i32) -> (i32, i32) {
    %c0_i32 = arith.constant 0 : i32
    %c0_i32_0 = arith.constant 0 : i32
    %c0_i32_1 = arith.constant 0 : i32
    return %c0_i32, %c0_i32_0 : i32, i32
  }
  func.func @transform_5(%arg0: i32) -> (i32, i32) {
    %c0_i32 = arith.constant 0 : i32
    %c0_i32_0 = arith.constant 0 : i32
    %c0_i32_1 = arith.constant 0 : i32
    return %c0_i32, %c0_i32_0 : i32, i32
  }
  func.func @transform_6(%arg0: i32) -> (i32, i32) {
    %c0_i32 = arith.constant 0 : i32
    %c0_i32_0 = arith.constant 0 : i32
    %c0_i32_1 = arith.constant 0 : i32
    return %c0_i32, %c0_i32_0 : i32, i32
  }
  func.func @transform_7(%arg0: i32) -> (i32, i32) {
    %c0_i32 = arith.constant 0 : i32
    %c0_i32_0 = arith.constant 0 : i32
    %c0_i32_1 = arith.constant 0 : i32
    return %c0_i32, %c0_i32_0 : i32, i32
  }
  func.func @transform_8(%arg0: i32) -> (i32, i32) {
    %c0_i32 = arith.constant 0 : i32
    %c0_i32_0 = arith.constant 0 : i32
    %c0_i32_1 = arith.constant 0 : i32
    return %c0_i32, %c0_i32_0 : i32, i32
  }
  func.func @transform_9(%arg0: i32) -> (i32, i32) {
    %c0_i32 = arith.constant 0 : i32
    %c0_i32_0 = arith.constant 0 : i32
    %c0_i32_1 = arith.constant 0 : i32
    return %c0_i32, %c0_i32_0 : i32, i32
  }
  func.func @transform_10(%arg0: i32) -> (i32, i32) {
    %c0_i32 = arith.constant 0 : i32
    %c0_i32_0 = arith.constant 0 : i32
    return %c0_i32, %arg0 : i32, i32
  }
}

module attributes {stable_mosaic.version = 14 : i64} {
  func.func @_scale_body(%arg0: memref<32x16384xf32, #tpu.memory_space<vmem>>, %arg1: memref<1x16384xf32, #tpu.memory_space<vmem>>, %arg2: memref<1x16384xf32, #tpu.memory_space<vmem>>, %arg3: memref<1x16384xf32, #tpu.memory_space<vmem>>) attributes {dimension_semantics = [], scalar_prefetch = 0 : i64, scratch_operands = 0 : i64, tpu.core_type = #tpu.core_type<tc>} {
    %get3A = arith.constant 0 : index
    %get3A_0 = arith.constant 0 : index
    %get3A_1 = vector.load %arg0[%get3A, %get3A_0] : memref<32x16384xf32, #tpu.memory_space<vmem>>, vector<32x16384xf32>
    %reduce_sum3A = arith.constant dense<0.000000e+00> : vector<16384xf32>
    %reduce_sum3A_2 = vector.multi_reduction <add>, %get3A_1, %reduce_sum3A [0] : vector<32x16384xf32> to vector<16384xf32>
    %mul3A = arith.mulf %reduce_sum3A_2, %reduce_sum3A_2 : vector<16384xf32>
    %reduce_sum3A_3 = vector.shape_cast %mul3A : vector<16384xf32> to vector<1x16384xf32>
    %reduce_sum3A_4 = arith.constant dense<0.000000e+00> : vector<1xf32>
    %reduce_sum3A_5 = vector.multi_reduction <add>, %reduce_sum3A_3, %reduce_sum3A_4 [1] : vector<1x16384xf32> to vector<1xf32>
    %reduce_sum3A_6 = vector.shape_cast %reduce_sum3A_5 : vector<1xf32> to vector<1x1xf32>
    %reduce_sum3A_7 = vector.extract %reduce_sum3A_6[0, 0] : f32 from vector<1x1xf32>
    %get3A_8 = arith.constant 0 : index
    %get3A_9 = arith.constant 0 : index
    %get3A_10 = vector.load %arg1[%get3A_8, %get3A_9] : memref<1x16384xf32, #tpu.memory_space<vmem>>, vector<1x16384xf32>
    %get3A_11 = vector.shape_cast %get3A_10 : vector<1x16384xf32> to vector<16384xf32>
    %mul3A_12 = arith.mulf %reduce_sum3A_2, %get3A_11 : vector<16384xf32>
    %reduce_sum3A_13 = vector.shape_cast %mul3A_12 : vector<16384xf32> to vector<1x16384xf32>
    %reduce_sum3A_14 = arith.constant dense<0.000000e+00> : vector<1xf32>
    %reduce_sum3A_15 = vector.multi_reduction <add>, %reduce_sum3A_13, %reduce_sum3A_14 [1] : vector<1x16384xf32> to vector<1xf32>
    %reduce_sum3A_16 = vector.shape_cast %reduce_sum3A_15 : vector<1xf32> to vector<1x1xf32>
    %reduce_sum3A_17 = vector.extract %reduce_sum3A_16[0, 0] : f32 from vector<1x1xf32>
    %max3A = arith.constant 1.000000e-16 : f32
    %max3A_18 = arith.maximumf %reduce_sum3A_7, %max3A : f32
    %div3A = arith.divf %reduce_sum3A_17, %max3A_18 : f32
    %max3A_19 = arith.constant 1.000000e-16 : f32
    %max3A_20 = arith.maximumf %div3A, %max3A_19 : f32
    %get3A_21 = arith.constant 0 : index
    %get3A_22 = arith.constant 0 : index
    %get3A_23 = vector.load %arg2[%get3A_21, %get3A_22] : memref<1x16384xf32, #tpu.memory_space<vmem>>, vector<1x16384xf32>
    %get3A_24 = vector.shape_cast %get3A_23 : vector<1x16384xf32> to vector<16384xf32>
    %mul3A_25 = vector.broadcast %max3A_20 : f32 to vector<16384xf32>
    %mul3A_26 = arith.mulf %get3A_24, %mul3A_25 : vector<16384xf32>
    %swap3A = arith.constant 0 : index
    %swap3A_27 = arith.constant 0 : index
    %swap3A_28 = vector.load %arg3[%swap3A, %swap3A_27] : memref<1x16384xf32, #tpu.memory_space<vmem>>, vector<1x16384xf32>
    %swap3A_29 = vector.shape_cast %swap3A_28 : vector<1x16384xf32> to vector<16384xf32>
    %swap3A_30 = vector.shape_cast %mul3A_26 : vector<16384xf32> to vector<1x16384xf32>
    tpu.vector_store %arg3[%swap3A, %swap3A_27], %swap3A_30 {strides = array<i32>} : memref<1x16384xf32, #tpu.memory_space<vmem>>, vector<1x16384xf32>,
    return
  }
}

</mosaic_0001>

<sc_bundles>
// kernel: kernel.6.cloned.1.call-start
scs
__scs_entry_jumppad:
0x0: {  	(pc) =	sbr.rel $0x88, $3  }
0x1: {  	(tag) =	ssettag $0x0;
	lr =	simm.s32 $0x1  }
0x2: {  	[smem:$0x3F98] =	sst lr;
	_ =	strace $0xD0000000  }
0x3: {  	_ = 	snop  }
0x4: {  	_ = 	snop  }
0x5: {  	_ = 	snop  }
0x6: {  	_ = 	snop  }
0x7: {  	_ = 	snop  }
__scs_overlays_trampoline_lowered:
0x8: {  	[smem:$0x3FA7] =	sst s0  }
0x9: {  	[smem:$0x3FA8] =	sst s1  }
0xa: {  	[smem:$0x3FA9] =	sst s2  }
0xb: {  	[smem:$0x3FAA] =	sst s3  }
0xc: {  	[smem:$0x3FAB] =	sst s4  }
0xd: {  	[smem:$0x3FAC] =	sst s5  }
0xe: {  	[smem:$0x3FAD] =	sst s6  }
0xf: {  	[smem:$0x3FAE] =	sst s7  }
0x10: {  	[smem:$0x3FAF] =	sst s8  }
0x11: {  	[smem:$0x3FB0] =	sst s9;
	s0 =	simm.s32 @!p0 $0x0  }
0x12: {  	s1 =	sld [smem:$0x3F96];
	s0 =	simm.s32 @p0 $0x1  }
0x13: {  	[smem:$0x3FB1] =	sst s0;
	s0 =	simm.s32 @!p1 $0x0  }
0x14: {  	s2 =	sld [smem:$0x3F95];
	s0 =	simm.s32 @p1 $0x1  }
0x15: {  	[smem:$0x3FB2] =	sst s0;
	s0 =	simm.s32 @!p2 $0x0  }
0x16: {  	s3 =	sld [smem:$0x3FDB];
	s0 =	simm.s32 @p2 $0x1  }
0x17: {  	s4 =	simm.s32 $0x1BF5;
	[smem:$0x3FB4] =	sst s0  }
0x18: {  	s0 =	sld [smem:$0x3F97];
	_ =	swait.ge [sflag:s4], $0x0  }
0x19: {  	s7 =	sld [smem:$0x3F98]  }
0x1a: {  	s8 =	sadd.s32 $0xFFFFE003, lr  }
0x1b: {  	s9 =	sadd.s32 $0xFFFFFEF7, lr;
	s5 =	simm.s32 $0xFFFFFFFF;
	p2 =	slt.u32 s8, $0xFFFFF086  }
0x1c: {  	p1 =	slt.u32 s9, $0xF7A;
	s5 =	simm.s32 @!p2 $0x0  }
0x1d: {  	s5 =	simm.s32 @p1 $0x1;
	p0 =	seq.s32 s7, s2  }
0x1e: {  	s7 =	smul.u32 @!p0 $0xF7A, s2;
	p2 =	seq.s32 @!p0 s5, $0x0  }
0x1f: {  	s9 =	smul.u32 $0xF7A, s1;
	s8 =	simm.s32 @!p0 $0x1BF5;
	p2 =	por !p2, p0  }
0x20: {  	[sflag:s8] =	ssyncset.s32 @!p0 $0xFFFFF086;
	s6 =	sadd.s32 @!p0 s3, s7;
	s7 =	simm.s32 @!p0 $0x108  }
0x21: {  	s3 =	sadd.s32 s3, s9;
	s6 =	sadd.s32 @!p0 $0x88, s6;
	s7 =	simm.s32 @p2 $0x1082  }
0x22: {  	[simem:s7], [sflag:s8] =	dma.local @!p0 [hbm:s6], $0xF7A  }
0x23: {  	s9 =	sor.u32 $0xD0000000, s2;
	s6 =	simm.s32 $0x108;
	_ =	swait.ge @!p0 [sflag:s8], $0x0  }
0x24: {  	s3 =	sadd.s32 $0x88, s3;
	s6 =	simm.s32 @!p1 $0x1082;
	[sflag:s4] =	ssyncset.s32 $0xFFFFF086  }
0x25: {  	[simem:s6], [sflag:s4] =	dma.local [hbm:s3], $0xF7A  }
0x26: {  	[smem:$0x3F98] =	sst s1;
	(tag) =	ssettag s2;
	_ =	strace s9  }
0x27: {  	s1 =	sld [smem:$0x3FA8]  }
0x28: {  	s2 =	sld [smem:$0x3FA9]  }
0x29: {  	s4 =	sld [smem:$0x3FAB]  }
0x2a: {  	p0 =	seq.s32 s5, $0x0;
	s5 =	sld [smem:$0x3FAC]  }
0x2b: {  	s6 =	sld [smem:$0x3FAD]  }
0x2c: {  	s7 =	sld [smem:$0x3FAE]  }
0x2d: {  	s3 =	simm.s32 $0x108;
	s8 =	sld [smem:$0x3FAF]  }
0x2e: {  	s3 =	simm.s32 @!p0 $0x1082;
	s9 =	sld [smem:$0x3FB0]  }
0x2f: {  	lr =	sadd.s32 s0, s3;
	s0 =	sld [smem:$0x3FA7]  }
0x30: {  	s3 =	sld [smem:$0x3FAA]  }
0x31: {  	[smem:$0x3FB3] =	sst s10  }
0x32: {  	s10 =	sld [smem:$0x3FB1];
	_ =	sdelay $0x3  }
0x33: {  	p0 =	seq.s32 s10, $0x1;
	s10 =	sld [smem:$0x3FB3];
	_ =	sdelay $0x3  }
0x34: {  	[smem:$0x3FB3] =	sst s10  }
0x35: {  	s10 =	sld [smem:$0x3FB2];
	_ =	sdelay $0x3  }
0x36: {  	p1 =	seq.s32 s10, $0x1;
	s10 =	sld [smem:$0x3FB3];
	_ =	sdelay $0x3  }
0x37: {  	[smem:$0x3FB3] =	sst s10  }
0x38: {  	s10 =	sld [smem:$0x3FB4]  }
0x39: {  	_ = 	snop;
	(pc) =	sbr.ind lr, $3  }
0x3a: {  	_ = 	snop  }
0x3b: {  	_ = 	snop  }
0x3c: {  	p2 =	seq.s32 s10, $0x1;
	s10 =	sld [smem:$0x3FB3]  }
0x3d: {  	_ =	shalt  }
0x3e: {  	_ =	shalt  }
0x3f: {  	_ =	shalt  }
0x40: {  	_ =	shalt  }
0x41: {  	_ =	shalt  }
0x42: {  	_ =	shalt  }
0x43: {  	_ =	shalt  }
0x44: {  	_ =	shalt  }
0x45: {  	_ =	shalt  }
0x46: {  	_ =	shalt  }
0x47: {  	_ =	shalt  }
0x48: {  	_ =	shalt  }
0x49: {  	_ =	shalt  }
0x4a: {  	_ =	shalt  }
0x4b: {  	_ =	shalt  }
0x4c: {  	_ =	shalt  }
0x4d: {  	_ =	shalt  }
0x4e: {  	_ =	shalt  }
0x4f: {  	_ =	shalt  }
0x50: {  	_ =	shalt  }
0x51: {  	_ =	shalt  }
0x52: {  	_ =	shalt  }
0x53: {  	_ =	shalt  }
0x54: {  	_ =	shalt  }
0x55: {  	_ =	shalt  }
0x56: {  	_ =	shalt  }
0x57: {  	_ =	shalt  }
0x58: {  	_ =	shalt  }
0x59: {  	_ =	shalt  }
0x5a: {  	_ =	shalt  }
0x5b: {  	_ =	shalt  }
0x5c: {  	_ =	shalt  }
0x5d: {  	_ =	shalt  }
0x5e: {  	_ =	shalt  }
0x5f: {  	_ =	shalt  }
0x60: {  	_ =	shalt  }
0x61: {  	_ =	shalt  }
0x62: {  	_ =	shalt  }
0x63: {  	_ =	shalt  }
0x64: {  	_ =	shalt  }
0x65: {  	_ =	shalt  }
0x66: {  	_ =	shalt  }
0x67: {  	_ =	shalt  }
0x68: {  	_ =	shalt  }
0x69: {  	_ =	shalt  }
0x6a: {  	_ =	shalt  }
0x6b: {  	_ =	shalt  }
0x6c: {  	_ =	shalt  }
0x6d: {  	_ =	shalt  }
0x6e: {  	_ =	shalt  }
0x6f: {  	_ =	shalt  }
0x70: {  	_ =	shalt  }
0x71: {  	_ =	shalt  }
0x72: {  	_ =	shalt  }
0x73: {  	_ =	shalt  }
0x74: {  	_ =	shalt  }
0x75: {  	_ =	shalt  }
0x76: {  	_ =	shalt  }
0x77: {  	_ =	shalt  }
0x78: {  	_ =	shalt  }
0x79: {  	_ =	shalt  }
0x7a: {  	_ =	shalt  }
0x7b: {  	_ =	shalt  }
0x7c: {  	_ =	shalt  }
0x7d: {  	_ =	shalt  }
0x7e: {  	_ =	shalt  }
0x7f: {  	_ =	shalt  }
0x80: {  	_ =	shalt  }
0x81: {  	_ =	shalt  }
0x82: {  	_ =	shalt  }
0x83: {  	_ =	shalt  }
0x84: {  	_ =	shalt  }
0x85: {  	_ =	shalt  }
0x86: {  	_ =	shalt  }
0x87: {  	_ =	shalt  }
.Lfunc_end0:
.L_simem_size_0:
called_computation_lowered:
.L_overlay_start_0:
0x88: {  	s2 =	sld [smem:$0x3FD9]  }
0x89: {  	s3 =	sld [smem:$0x3FFE];
	_ =	sdelay $0x1  }
0x8a: {  	s1 =	srdreg.scid  }
0x8b: {  	s0 =	sand.u32 $0x1, s1  }
0x8c: {  	s17 =	sshll.u32 s0, $0xA;
	s2 =	sadd.s32 s3, s2  }
0x8d: {  	s2 =	sadd.s32 s2, s17  }
0x8e: {  	[smem:$0x3FBF] =	sst s2  }
0x8f: {  	_ = 	snop  }
0x90: {  	s2 =	sld [smem:$0x3FD0];
	(tm) =	ssettm $0x1  }
0x91: {  	s18 =	sld [smem:$0x3FFB];
	_ =	sdelay $0x3  }
0x92: {  	_ =	strace s18  }
0x93: {  	s3 =	sld [smem:$0x3FFC];
	_ =	sdelay $0x3  }
0x94: {  	_ =	strace s3  }
0x95: {  	s3 =	sld [smem:$0x3FFD];
	_ =	sdelay $0x3  }
0x96: {  	_ =	strace s3  }
0x97: {  	_ =	strace $0x8FFFFFFF  }
0x98: {  	s19 =	sld [smem:$0x3FDB];
	_ =	sdelay $0x1  }
0x99: {  	s4 =	simm.s32 $_scs_section_size  }
0x9a: {  	s5 =	simm.s32 $_size__tile_overlayer_lowered;
	s6 =	simm.s32 $_tile_overlayer_lowered  }
0x9b: {  	s22 =	simm.s32 $0x1BFF;
	s21 =	sshll.u32 s6, $0x1;
	s3 =	sadd.s32 s4, s19  }
0x9c: {  	s7 =	simm.s32 $0x0;
	s20 =	sshll.u32 s5, $0x1;
	s5 =	sadd.s32 s21, s3  }
0x9d: {  	[timem:s7], [sflag:s22] =	dma.local [hbm:s5], s20  }
0x9e: {  	_ =	swait.ge [sflag:s22], s20  }
0x9f: {  	s4 =	ssub.s32 $0x0, s20;
	[sflag:s22] =	ssyncset.done $0x0  }
0xa0: {  	[sflag:s22] =	ssyncadd.s32 s4;
	_ =	sdelay $0x1  }
0xa1: {  	s23 =	simm.s32 $0x1B8B  }
0xa2: {  	_ =	swait.ge [sflag:s23], $0x1  }
0xa3: {  	[sflag:s23] =	ssyncset.done $0x0  }
0xa4: {  	s25 =	simm.s32 $0x1B8E;
	s24 =	sld [smem:$0x3FFE];
	[sflag:s23] =	ssyncadd.s32 $0xFFFFFFFF  }
0xa5: {  	s26 =	simm.s32 $execute0_lowered;
	[smem:$0x3FD2] =	sst s25  }
0xa6: {  	s5 =	sshll.u32 s26, $0x1;
	_ =	strace $0x80000046;
	[dreg:$0x1] =	wrdreg $0xFFFFFFFF  }
0xa7: {  	s28 =	simm.s32 $_size_execute0_lowered;
	s3 =	sadd.s32 s3, s5;
	[dreg:$0x0] =	wrdreg $0x0  }
0xa8: {  	s5 =	sshll.u32 s28, $0x1;
	[dreg:$0x2] =	wrdreg s3  }
0xa9: {  	[dreg:$0x3] =	wrdreg s5  }
0xaa: {  	[dreg:$0x4] =	wrdreg $0xC0  }
0xab: {  	_ =	task [dreg:s7], $0x5FFFF  }
0xac: {  	[dreg:$0x1] =	wrdreg $0xFFFFFFFF  }
0xad: {  	[dreg:$0x0] =	wrdreg $0x60  }
0xae: {  	[dreg:$0x2] =	wrdreg s24  }
0xaf: {  	[dreg:$0x3] =	wrdreg s2  }
0xb0: {  	[dreg:$0x4] =	wrdreg $0x9  }
0xb1: {  	_ =	task.clear_ibuf [dreg:s7], $0x5FFFF;
	_ =	strace $0x90000046  }
0xb2: {  	s29 =	simm.s32 $0x9;
	_ =	strace $0x80000048  }
0xb3: {  	_ =	swait.ge [sflag:s29], $0x1  }
0xb4: {  	[sflag:s29] =	ssyncadd.s32 $0xFFFFFFFF  }
0xb5: {  	_ =	strace $0x90000048  }
0xb6: {  	_ =	sfence  }
0xb7: {  	s30 =	sld [smem:$0x0];
	_ =	sdelay $0x2  }
0xb8: {  	s31 =	sshll.u32 s1, $0xD;
	s1 =	sshrl.u32 s1, $0x2  }
0xb9: {  	s3 =	sand.u32 $0x4000, s31;
	s1 =	sadd.s32 s1, s30  }
0xba: {  	s0 =	sor.u32 s3, s0;
	s1 =	sshll.u32 s1, $0x11  }
0xbb: {  	s0 =	sor.u32 s1, s0  }
0xbc: {  	s0 =	sadd.s32 $0x8F2B, s0  }
0xbd: {  	[sflag:s0] =	ssyncadd.remote.s32 $0x1  }
0xbe: {  	_ =	sfence.sel $0xFFFF  }
0xbf: {  	[dreg:$0x0] =	wrdreg $0xFFFFFFFF;
	(pc) =	sbr.abs _section_cstart, $3  }
0xc0: {  	[dreg:$0x1] =	wrdreg $0xFFFFFFFF  }
0xc1: {  	_ =	task.clear_ibuf [dreg:s7], $0x2FFFF;
	_ =	strace $0x9FFFFFFF  }
0xc2: {  	(tm) =	ssettm $0x7FFFFFFF  }
0xc3: {  	_ =	shalt  }
tec
execute0_lowered:
.L_overlay_start_1:
0x0: {  	(tag) =	ssettag $0x1  }
0x1: {  	s6 =	rddreg [dreg:$0x0];
	s1 =	srdreg.scid  }
0x2: {  	s0 =	stileid.u32;
	s9 =	rddreg [dreg:$0x1];
	s15 =	simm.s32 $0x9000  }
0x3: {  	s16 =	simm.s32 $0x4000;
	s17 =	simm.s32 $0x80;
	s18 =	simm.s32 $0x400  }
0x4: {  	s19 =	simm.s32 $0x9800;
	s20 =	simm.s32 $0x0;
	s7 =	sand.u32 $0x1, s1  }
0x5: {  	s2 =	sshll.u32 s0, $0x1;
	s1 =	rddreg [dreg:$0x2];
	s10 =	sshrl.u32 s0, $0x2  }
0x6: {  	s5 =	sadd.s32 $0xA6800, s6;
	s14 =	smul.u32 $0x29000, s0;
	s8 =	sor.u32 s7, s2  }
0x7: {  	s2 =	simm.s32 $0x0;
	s4 =	sshll.u32 s10, $0x11;
	s13 =	ssub.s32 $0x2, s7  }
0x8: {  	s10 =	sshll.u32 s10, $0xA;
	s31 =	smul.u32 $0x14800, s7;
	s3 =	sshll.u32 s8, $0x7  }
0x9: {  	[smem:$0x7FF] =	sst s2;
	s30 =	sshrl.u32 s13, $0x1;
	s11 =	sand.u32 $0x380, s3  }
0xa: {  	_ =	strace $0x80000047;
	s3 =	sadd.s32 $0x2800, s6;
	s13 =	ssub.s32 s13, s30  }
0xb: {  	s12 =	sor.u32 s4, s11;
	s4 =	sadd.s32 $0x54800, s6;
	s10 =	sor.u32 s10, s11  }
0xc: {  	s11 =	sadd.s32 s31, s14;
	s14 =	simm.s32 $0x8800;
	s12 =	sshrl.u32 s12, $0x3  }
0xd: {  	s10 =	sshrl.u32 s10, $0x3;
	s12 =	sadd.s32 s12, s6;
	s6 =	smul.u32 $0x14800, s8  }
0xe: {  	s9 =	sadd.s32 s9, s10;
	s10 =	smax.u32 s13, $0x1;
	s13 =	simm.s32 $0x1  }
0xf: {  	v0 =	vimm.s32 $0xFFFFFFFF;
	v1 =	vlaneseq.u32;
	s7 =	sadd.s32 $0xF8800, s12;
	s8 =	sadd.s32 $0x108800, s12;
	s12 =	simm.s32 $0x8000  }
.LBB2_1:
0x10: {  	s21 =	simm.s32 $0x40;
	s22 =	simm.s32 $0x0;
	v2 =	vimm.f32 $0.0e+00  }
.LBB2_2:
0x11: {  	p0 =	sne.s32 s21, $0xFFC0;
	[tilespmem:s22+$0x0] =	vst v2;
	s23 =	smov.u32 s21;
	s21 =	sadd.s32 $0x40, s21  }
.Ltmp0:
0x12: {  	[tilespmem:s22+$0x4000] =	vst v0;
	(pc) =	sbr.rel @p0 .LBB2_2-.Ltmp0, $2  }
0x13: {  	_ =	sdelay $0x2  }
0x14: {  	s22 =	sshra.s32 s23, $0x2  }
0x15: {  	[tilespmem:s22+$0x0] =	vst v2  }
0x16: {  	s21 =	simm.s32 $0x0;
	[tilespmem:s22+$0x4000] =	vst v0;
	s22 =	smov.u32 s11;
	s23 =	simm.s32 $0x0  }
.LBB2_4:
0x17: {  	s24 =	sshll.u32 s23, $0xB  }
0x18: {  	s24 =	sadd.s32 s6, s24  }
0x19: {  	s24 =	sshrl.u32 s24, $0x3  }
0x1a: {  	s25 =	sadd.s32 s3, s24  }
0x1b: {  	[tilespmem:s12], [sflag:$0x1] =	stream.linear.gather [hbm4b:s25+s21], $0x800, $0x38;
	[tilespmem:$0x9880] =	vst v63  }
0x1c: {  	_ =	swait.ge [sflag:s13], $0x800  }
0x1d: {  	[sflag:s13] =	ssyncset.done $0x0  }
0x1e: {  	s30 =	sadd.s32 s4, s24;
	[sflag:s13] =	ssyncadd.s32 $0xFFFFF800  }
0x1f: {  	[tilespmem:s14], [sflag:$0x1] =	stream.linear.gather [hbm4b:s30+s21], $0x800, $0x38;
	[tilespmem:$0x9880] =	vst v63  }
0x20: {  	_ =	swait.ge [sflag:s13], $0x800  }
0x21: {  	[sflag:s13] =	ssyncset.done $0x0  }
0x22: {  	s24 =	sadd.s32 s5, s24;
	[sflag:s13] =	ssyncadd.s32 $0xFFFFF800  }
0x23: {  	[tilespmem:s15], [sflag:$0x1] =	stream.linear.gather [hbm4b:s24+s21], $0x800, $0x38;
	[tilespmem:$0x9880] =	vst v63  }
0x24: {  	_ =	swait.ge [sflag:s13], $0x800  }
0x25: {  	[sflag:s13] =	ssyncset.done $0x0  }
0x26: {  	s31 =	simm.s32 $0x0;
	[sflag:s13] =	ssyncadd.s32 $0xFFFFF800  }
0x27: {  	v3 =	vld [tilespmem:s31+$0x8800]  }
0x28: {  	v4 =	vld [tilespmem:s31+$0x8000];
	_ =	sdelay $0x4  }
0x29: {  	vm0 =	veq.s32 v4, v3  }
0x2a: {  	v3 =	vld [tilespmem:s31+$0x9000];
	_ =	sdelay $0x4  }
0x2b: {  	v5 =	vor.u32 s22, v1;
	[tilespmem:v4+s2+$0x0] =	vst.idx.msk vm0, v3  }
0x2c: {  	s26 =	simm.s32 $0x10;
	[tilespmem:v4+s16+$0x0] =	vst.idx.msk vm0, v5  }
0x2d: {  	v3 =	vand.u32 $0x7FFFFFFF, v3;
	v4 =	vld [tilespmem:s26+$0x8800]  }
0x2e: {  	s25 =	simm.s32 $0x80;
	s24 =	smov.u32 s22;
	v2 =	vmax.f32 v2, v3;
	v3 =	vld [tilespmem:s26+$0x8000]  }
.LBB2_5:
0x2f: {  	p0 =	sne.s32 s25, $0x1FC0;
	_ =	sdelay $0x3  }
0x30: {  	vm0 =	veq.s32 v3, v4  }
0x31: {  	v4 =	vld [tilespmem:s26+$0x9000];
	_ =	sdelay $0x3  }
.Ltmp1:
0x32: {  	s24 =	sadd.s32 $0x10, s24;
	(pc) =	sbr.rel @p0 .LBB2_5-.Ltmp1, $4  }
0x33: {  	v5 =	vor.u32 s24, v1;
	[tilespmem:v3+s2+$0x0] =	vst.idx.msk vm0, v4;
	v4 =	vand.u32 $0x7FFFFFFF, v4  }
0x34: {  	s26 =	sshra.s32 s25, $0x2;
	[tilespmem:v3+s16+$0x0] =	vst.idx.msk vm0, v5;
	v2 =	vmax.f32 v2, v4  }
0x35: {  	v4 =	vld [tilespmem:s26+$0x8800]  }
0x36: {  	s25 =	sadd.s32 $0x40, s25;
	v3 =	vld [tilespmem:s26+$0x8000]  }
0x37: {  	_ =	sdelay $0x3  }
0x38: {  	vm0 =	veq.s32 v3, v4  }
0x39: {  	v63 =	vld [tilespmem:s26+$0x9000];
	s23 =	sadd.s32 $0x1, s23  }
0x3a: {  	p0 =	sne.s32 s23, $0x29  }
.Ltmp2:
0x3b: {  	_ = 	snop;
	(pc) =	sbr.rel @p0 .LBB2_4-.Ltmp2, $4  }
0x3c: {  	_ = 	snop  }
0x3d: {  	s24 =	sadd.s32 $0x10, s24  }
0x3e: {  	v5 =	vor.u32 s24, v1;
	v4 =	vand.u32 $0x7FFFFFFF, v63;
	[tilespmem:v3+s2+$0x0] =	vst.idx.msk vm0, v63  }
0x3f: {  	s22 =	sadd.s32 $0x800, s22;
	v2 =	vmax.f32 v2, v4;
	[tilespmem:v3+s16+$0x0] =	vst.idx.msk vm0, v5  }
0x40: {  	[tilespmem:$0x9800] =	vst v2  }
0x41: {  	[hbm4b:s7+s17] =	stream.strided.scatter [tilespmem:s2], [sflag:$0x1], $0x4000, s18, s17, $0x38;
	[tilespmem:$0x9880] =	vst v63  }
0x42: {  	_ =	swait.ge [sflag:s13], $0x4000  }
0x43: {  	[sflag:s13] =	ssyncset.done $0x0  }
0x44: {  	[sflag:s13] =	ssyncadd.s32 $0xFFFFC000  }
0x45: {  	[hbm4b:s8+s17] =	stream.strided.scatter [tilespmem:s16], [sflag:$0x1], $0x4000, s18, s17, $0x38;
	[tilespmem:$0x9880] =	vst v63  }
0x46: {  	s20 =	sadd.s32 $0x1, s20;
	_ =	swait.ge [sflag:s13], $0x4000  }
0x47: {  	p0 =	sne.s32 s20, s10;
	[sflag:s13] =	ssyncset.done $0x0  }
.Ltmp3:
0x48: {  	[sflag:s13] =	ssyncadd.s32 $0xFFFFC000;
	(pc) =	sbr.rel @p0 .LBB2_1-.Ltmp3, $4  }
0x49: {  	[hbm4b:s9+s2] =	stream.linear.scatter [tilespmem:s19], [sflag:$0x1], $0x80, $0x38;
	[tilespmem:$0x9880] =	vst v63  }
0x4a: {  	_ =	swait.ge [sflag:s13], $0x80  }
0x4b: {  	[sflag:s13] =	ssyncset.done $0x0  }
0x4c: {  	[sflag:s13] =	ssyncadd.s32 $0xFFFFFF80  }
0x4d: {  	_ =	sfence.sel $0x180000  }
0x4e: {  	[bflag:$0x0] =	sbarrier.arrive $0xFFFF  }
0x4f: {  	p0 =	sne.s32 s0, $0x0;
	_ =	strace $0x90000047  }
0x50: {  	s0 =	sadd.s32 @!p0 $0x100000, s1;
	[bflag:$0x2] =	sbarrier.arrive $0xFFFF  }
0x51: {  	[sflag:s0] =	ssyncadd.tile.s32 @!p0 $0x1;
	_ =	shalt  }
.Lfunc_end2:
_tile_overlayer_lowered:
.L_overlay_start_2:
0x52: {  	(tag) =	ssettag $0x2  }
0x53: {  	s0 =	rddreg [dreg:$0x0];
	s2 =	stileid.u32  }
0x54: {  	s1 =	rddreg [dreg:$0x1];
	p0 =	sne.s32 s2, $0x0  }
0x55: {  	s3 =	rddreg [dreg:$0x2];
	[bflag:$0x3] =	sbarrier.arrive $0xFFFF;
	s2 =	simm.s32 @!p0 $0x1C01  }
0x56: {  	[timem:s3], [sflag:s2] =	dma.local @!p0 [hbm:s0], s1  }
0x57: {  	s0 =	simm.s32 @!p0 $0x1  }
0x58: {  	_ =	swait.ge @!p0 [sflag:s0], s1  }
0x59: {  	s1 =	ssub.s32 @!p0 $0x0, s1;
	[sflag:s0] =	ssyncset.done @!p0 $0x0  }
0x5a: {  	[sflag:s0] =	ssyncadd.s32 @!p0 s1  }
0x5b: {  	[bflag:$0x3] =	sbarrier.arrive $0xFFFF  }
0x5c: {  	_ =	shalt  }

// kernel: kernel.9.cloned.1.call-start
scs
__scs_entry_jumppad:
0x0: {  	(pc) =	sbr.rel $0x88, $3  }
0x1: {  	(tag) =	ssettag $0x0;
	lr =	simm.s32 $0x1  }
0x2: {  	[smem:$0x3F98] =	sst lr;
	_ =	strace $0xD0000000  }
0x3: {  	_ = 	snop  }
0x4: {  	_ = 	snop  }
0x5: {  	_ = 	snop  }
0x6: {  	_ = 	snop  }
0x7: {  	_ = 	snop  }
__scs_overlays_trampoline_lowered:
0x8: {  	[smem:$0x3FA7] =	sst s0  }
0x9: {  	[smem:$0x3FA8] =	sst s1  }
0xa: {  	[smem:$0x3FA9] =	sst s2  }
0xb: {  	[smem:$0x3FAA] =	sst s3  }
0xc: {  	[smem:$0x3FAB] =	sst s4  }
0xd: {  	[smem:$0x3FAC] =	sst s5  }
0xe: {  	[smem:$0x3FAD] =	sst s6  }
0xf: {  	[smem:$0x3FAE] =	sst s7  }
0x10: {  	[smem:$0x3FAF] =	sst s8  }
0x11: {  	[smem:$0x3FB0] =	sst s9;
	s0 =	simm.s32 @!p0 $0x0  }
0x12: {  	s1 =	sld [smem:$0x3F96];
	s0 =	simm.s32 @p0 $0x1  }
0x13: {  	[smem:$0x3FB1] =	sst s0;
	s0 =	simm.s32 @!p1 $0x0  }
0x14: {  	s2 =	sld [smem:$0x3F95];
	s0 =	simm.s32 @p1 $0x1  }
0x15: {  	[smem:$0x3FB2] =	sst s0;
	s0 =	simm.s32 @!p2 $0x0  }
0x16: {  	s3 =	sld [smem:$0x3FDB];
	s0 =	simm.s32 @p2 $0x1  }
0x17: {  	s4 =	simm.s32 $0x1BF5;
	[smem:$0x3FB4] =	sst s0  }
0x18: {  	s0 =	sld [smem:$0x3F97];
	_ =	swait.ge [sflag:s4], $0x0  }
0x19: {  	s7 =	sld [smem:$0x3F98]  }
0x1a: {  	s8 =	sadd.s32 $0xFFFFE003, lr  }
0x1b: {  	s9 =	sadd.s32 $0xFFFFFEF7, lr;
	s5 =	simm.s32 $0xFFFFFFFF;
	p2 =	slt.u32 s8, $0xFFFFF086  }
0x1c: {  	p1 =	slt.u32 s9, $0xF7A;
	s5 =	simm.s32 @!p2 $0x0  }
0x1d: {  	s5 =	simm.s32 @p1 $0x1;
	p0 =	seq.s32 s7, s2  }
0x1e: {  	s7 =	smul.u32 @!p0 $0xF7A, s2;
	p2 =	seq.s32 @!p0 s5, $0x0  }
0x1f: {  	s9 =	smul.u32 $0xF7A, s1;
	s8 =	simm.s32 @!p0 $0x1BF5;
	p2 =	por !p2, p0  }
0x20: {  	[sflag:s8] =	ssyncset.s32 @!p0 $0xFFFFF086;
	s6 =	sadd.s32 @!p0 s3, s7;
	s7 =	simm.s32 @!p0 $0x108  }
0x21: {  	s3 =	sadd.s32 s3, s9;
	s6 =	sadd.s32 @!p0 $0x88, s6;
	s7 =	simm.s32 @p2 $0x1082  }
0x22: {  	[simem:s7], [sflag:s8] =	dma.local @!p0 [hbm:s6], $0xF7A  }
0x23: {  	s9 =	sor.u32 $0xD0000000, s2;
	s6 =	simm.s32 $0x108;
	_ =	swait.ge @!p0 [sflag:s8], $0x0  }
0x24: {  	s3 =	sadd.s32 $0x88, s3;
	s6 =	simm.s32 @!p1 $0x1082;
	[sflag:s4] =	ssyncset.s32 $0xFFFFF086  }
0x25: {  	[simem:s6], [sflag:s4] =	dma.local [hbm:s3], $0xF7A  }
0x26: {  	[smem:$0x3F98] =	sst s1;
	(tag) =	ssettag s2;
	_ =	strace s9  }
0x27: {  	s1 =	sld [smem:$0x3FA8]  }
0x28: {  	s2 =	sld [smem:$0x3FA9]  }
0x29: {  	s4 =	sld [smem:$0x3FAB]  }
0x2a: {  	p0 =	seq.s32 s5, $0x0;
	s5 =	sld [smem:$0x3FAC]  }
0x2b: {  	s6 =	sld [smem:$0x3FAD]  }
0x2c: {  	s7 =	sld [smem:$0x3FAE]  }
0x2d: {  	s3 =	simm.s32 $0x108;
	s8 =	sld [smem:$0x3FAF]  }
0x2e: {  	s3 =	simm.s32 @!p0 $0x1082;
	s9 =	sld [smem:$0x3FB0]  }
0x2f: {  	lr =	sadd.s32 s0, s3;
	s0 =	sld [smem:$0x3FA7]  }
0x30: {  	s3 =	sld [smem:$0x3FAA]  }
0x31: {  	[smem:$0x3FB3] =	sst s10  }
0x32: {  	s10 =	sld [smem:$0x3FB1];
	_ =	sdelay $0x3  }
0x33: {  	p0 =	seq.s32 s10, $0x1;
	s10 =	sld [smem:$0x3FB3];
	_ =	sdelay $0x3  }
0x34: {  	[smem:$0x3FB3] =	sst s10  }
0x35: {  	s10 =	sld [smem:$0x3FB2];
	_ =	sdelay $0x3  }
0x36: {  	p1 =	seq.s32 s10, $0x1;
	s10 =	sld [smem:$0x3FB3];
	_ =	sdelay $0x3  }
0x37: {  	[smem:$0x3FB3] =	sst s10  }
0x38: {  	s10 =	sld [smem:$0x3FB4]  }
0x39: {  	_ = 	snop;
	(pc) =	sbr.ind lr, $3  }
0x3a: {  	_ = 	snop  }
0x3b: {  	_ = 	snop  }
0x3c: {  	p2 =	seq.s32 s10, $0x1;
	s10 =	sld [smem:$0x3FB3]  }
0x3d: {  	_ =	shalt  }
0x3e: {  	_ =	shalt  }
0x3f: {  	_ =	shalt  }
0x40: {  	_ =	shalt  }
0x41: {  	_ =	shalt  }
0x42: {  	_ =	shalt  }
0x43: {  	_ =	shalt  }
0x44: {  	_ =	shalt  }
0x45: {  	_ =	shalt  }
0x46: {  	_ =	shalt  }
0x47: {  	_ =	shalt  }
0x48: {  	_ =	shalt  }
0x49: {  	_ =	shalt  }
0x4a: {  	_ =	shalt  }
0x4b: {  	_ =	shalt  }
0x4c: {  	_ =	shalt  }
0x4d: {  	_ =	shalt  }
0x4e: {  	_ =	shalt  }
0x4f: {  	_ =	shalt  }
0x50: {  	_ =	shalt  }
0x51: {  	_ =	shalt  }
0x52: {  	_ =	shalt  }
0x53: {  	_ =	shalt  }
0x54: {  	_ =	shalt  }
0x55: {  	_ =	shalt  }
0x56: {  	_ =	shalt  }
0x57: {  	_ =	shalt  }
0x58: {  	_ =	shalt  }
0x59: {  	_ =	shalt  }
0x5a: {  	_ =	shalt  }
0x5b: {  	_ =	shalt  }
0x5c: {  	_ =	shalt  }
0x5d: {  	_ =	shalt  }
0x5e: {  	_ =	shalt  }
0x5f: {  	_ =	shalt  }
0x60: {  	_ =	shalt  }
0x61: {  	_ =	shalt  }
0x62: {  	_ =	shalt  }
0x63: {  	_ =	shalt  }
0x64: {  	_ =	shalt  }
0x65: {  	_ =	shalt  }
0x66: {  	_ =	shalt  }
0x67: {  	_ =	shalt  }
0x68: {  	_ =	shalt  }
0x69: {  	_ =	shalt  }
0x6a: {  	_ =	shalt  }
0x6b: {  	_ =	shalt  }
0x6c: {  	_ =	shalt  }
0x6d: {  	_ =	shalt  }
0x6e: {  	_ =	shalt  }
0x6f: {  	_ =	shalt  }
0x70: {  	_ =	shalt  }
0x71: {  	_ =	shalt  }
0x72: {  	_ =	shalt  }
0x73: {  	_ =	shalt  }
0x74: {  	_ =	shalt  }
0x75: {  	_ =	shalt  }
0x76: {  	_ =	shalt  }
0x77: {  	_ =	shalt  }
0x78: {  	_ =	shalt  }
0x79: {  	_ =	shalt  }
0x7a: {  	_ =	shalt  }
0x7b: {  	_ =	shalt  }
0x7c: {  	_ =	shalt  }
0x7d: {  	_ =	shalt  }
0x7e: {  	_ =	shalt  }
0x7f: {  	_ =	shalt  }
0x80: {  	_ =	shalt  }
0x81: {  	_ =	shalt  }
0x82: {  	_ =	shalt  }
0x83: {  	_ =	shalt  }
0x84: {  	_ =	shalt  }
0x85: {  	_ =	shalt  }
0x86: {  	_ =	shalt  }
0x87: {  	_ =	shalt  }
.Lfunc_end0:
.L_simem_size_0:
called_computation.1_lowered:
.L_overlay_start_0:
0x88: {  	s2 =	sld [smem:$0x3FD9]  }
0x89: {  	s3 =	sld [smem:$0x3FFE];
	_ =	sdelay $0x1  }
0x8a: {  	s1 =	srdreg.scid  }
0x8b: {  	s0 =	sand.u32 $0x1, s1  }
0x8c: {  	s17 =	sshll.u32 s0, $0xA;
	s2 =	sadd.s32 s3, s2  }
0x8d: {  	s2 =	sadd.s32 s2, s17  }
0x8e: {  	[smem:$0x3FBF] =	sst s2  }
0x8f: {  	_ = 	snop  }
0x90: {  	s2 =	sld [smem:$0x3FD0];
	(tm) =	ssettm $0x1  }
0x91: {  	s18 =	sld [smem:$0x3FFB];
	_ =	sdelay $0x3  }
0x92: {  	_ =	strace s18  }
0x93: {  	s3 =	sld [smem:$0x3FFC];
	_ =	sdelay $0x3  }
0x94: {  	_ =	strace s3  }
0x95: {  	s3 =	sld [smem:$0x3FFD];
	_ =	sdelay $0x3  }
0x96: {  	_ =	strace s3  }
0x97: {  	_ =	strace $0x8FFFFFFF  }
0x98: {  	s19 =	sld [smem:$0x3FDB];
	_ =	sdelay $0x1  }
0x99: {  	s4 =	simm.s32 $_scs_section_size  }
0x9a: {  	s5 =	simm.s32 $_size__tile_overlayer_lowered;
	s6 =	simm.s32 $_tile_overlayer_lowered  }
0x9b: {  	s22 =	simm.s32 $0x1BFF;
	s21 =	sshll.u32 s6, $0x1;
	s3 =	sadd.s32 s4, s19  }
0x9c: {  	s7 =	simm.s32 $0x0;
	s20 =	sshll.u32 s5, $0x1;
	s5 =	sadd.s32 s21, s3  }
0x9d: {  	[timem:s7], [sflag:s22] =	dma.local [hbm:s5], s20  }
0x9e: {  	_ =	swait.ge [sflag:s22], s20  }
0x9f: {  	s4 =	ssub.s32 $0x0, s20;
	[sflag:s22] =	ssyncset.done $0x0  }
0xa0: {  	[sflag:s22] =	ssyncadd.s32 s4;
	_ =	sdelay $0x1  }
0xa1: {  	s23 =	simm.s32 $0x1B8B  }
0xa2: {  	_ =	swait.ge [sflag:s23], $0x1  }
0xa3: {  	[sflag:s23] =	ssyncset.done $0x0  }
0xa4: {  	s25 =	simm.s32 $0x1B8E;
	s24 =	sld [smem:$0x3FFE];
	[sflag:s23] =	ssyncadd.s32 $0xFFFFFFFF  }
0xa5: {  	s26 =	simm.s32 $execute0_lowered;
	[smem:$0x3FD2] =	sst s25  }
0xa6: {  	s5 =	sshll.u32 s26, $0x1;
	_ =	strace $0x80000049;
	[dreg:$0x1] =	wrdreg $0xFFFFFFFF  }
0xa7: {  	s28 =	simm.s32 $_size_execute0_lowered;
	s3 =	sadd.s32 s3, s5;
	[dreg:$0x0] =	wrdreg $0x0  }
0xa8: {  	s5 =	sshll.u32 s28, $0x1;
	[dreg:$0x2] =	wrdreg s3  }
0xa9: {  	[dreg:$0x3] =	wrdreg s5  }
0xaa: {  	[dreg:$0x4] =	wrdreg $0xC0  }
0xab: {  	_ =	task [dreg:s7], $0x5FFFF  }
0xac: {  	[dreg:$0x1] =	wrdreg $0xFFFFFFFF  }
0xad: {  	[dreg:$0x0] =	wrdreg $0x60  }
0xae: {  	[dreg:$0x2] =	wrdreg s24  }
0xaf: {  	[dreg:$0x3] =	wrdreg s2  }
0xb0: {  	[dreg:$0x4] =	wrdreg $0x9  }
0xb1: {  	_ =	task.clear_ibuf [dreg:s7], $0x5FFFF;
	_ =	strace $0x90000049  }
0xb2: {  	s29 =	simm.s32 $0x9;
	_ =	strace $0x8000004B  }
0xb3: {  	_ =	swait.ge [sflag:s29], $0x1  }
0xb4: {  	[sflag:s29] =	ssyncadd.s32 $0xFFFFFFFF  }
0xb5: {  	_ =	strace $0x9000004B  }
0xb6: {  	_ =	sfence  }
0xb7: {  	s30 =	sld [smem:$0x0];
	_ =	sdelay $0x2  }
0xb8: {  	s31 =	sshll.u32 s1, $0xD;
	s1 =	sshrl.u32 s1, $0x2  }
0xb9: {  	s3 =	sand.u32 $0x4000, s31;
	s1 =	sadd.s32 s1, s30  }
0xba: {  	s0 =	sor.u32 s3, s0;
	s1 =	sshll.u32 s1, $0x11  }
0xbb: {  	s0 =	sor.u32 s1, s0  }
0xbc: {  	s0 =	sadd.s32 $0x8F2B, s0  }
0xbd: {  	[sflag:s0] =	ssyncadd.remote.s32 $0x1  }
0xbe: {  	_ =	sfence.sel $0xFFFF  }
0xbf: {  	[dreg:$0x0] =	wrdreg $0xFFFFFFFF;
	(pc) =	sbr.abs _section_cstart, $3  }
0xc0: {  	[dreg:$0x1] =	wrdreg $0xFFFFFFFF  }
0xc1: {  	_ =	task.clear_ibuf [dreg:s7], $0x2FFFF;
	_ =	strace $0x9FFFFFFF  }
0xc2: {  	(tm) =	ssettm $0x7FFFFFFF  }
0xc3: {  	_ =	shalt  }
tec
execute0_lowered:
.L_overlay_start_1:
0x0: {  	(tag) =	ssettag $0x1  }
0x1: {  	s6 =	rddreg [dreg:$0x0]  }
0x2: {  	s2 =	rddreg [dreg:$0x1]  }
0x3: {  	s0 =	rddreg [dreg:$0x2];
	s3 =	simm.s32 $0x0  }
0x4: {  	s1 =	stileid.u32;
	s4 =	srdreg.scid;
	s12 =	simm.s32 $0x8800  }
0x5: {  	s13 =	simm.s32 $0x9000;
	s14 =	simm.s32 $0x4000;
	s15 =	simm.s32 $0x80  }
0x6: {  	s16 =	simm.s32 $0x400;
	s17 =	simm.s32 $0x0;
	[smem:$0x7FF] =	sst s3  }
0x7: {  	s7 =	sand.u32 $0x1, s4;
	s5 =	sshll.u32 s1, $0x1;
	s4 =	sadd.s32 $0x2800, s6  }
0x8: {  	s8 =	sshll.u32 s1, $0xC;
	_ =	strace $0x8000004A;
	s9 =	sor.u32 s7, s5  }
0x9: {  	s5 =	sadd.s32 $0x54800, s6;
	s8 =	sand.u32 $0xC000, s8;
	s7 =	ssub.s32 $0x2, s7  }
0xa: {  	s10 =	sshll.u32 s9, $0x4;
	s8 =	sadd.s32 s8, s6;
	s11 =	sshrl.u32 s7, $0x1  }
0xb: {  	s6 =	sadd.s32 $0xA6800, s6;
	s10 =	sand.u32 $0x70, s10;
	s31 =	ssub.s32 s7, s11  }
0xc: {  	s7 =	smul.u32 $0x14800, s9;
	s11 =	simm.s32 $0x8000;
	s8 =	sadd.s32 s10, s8  }
0xd: {  	v0 =	vimm.f32 $0.0e+00;
	s9 =	smax.u32 s31, $0x1;
	s10 =	simm.s32 $0x1;
	s8 =	sadd.s32 $0xF8800, s8  }
.LBB2_1:
0xe: {  	[tilespmem:s3], [sflag:$0x1] =	stream.linear.gather [hbm4b:s2+s3], $0x4000, $0x38;
	[tilespmem:$0x9800] =	vst v63  }
0xf: {  	_ =	swait.ge [sflag:s10], $0x4000  }
0x10: {  	[sflag:s10] =	ssyncset.done $0x0  }
0x11: {  	s18 =	simm.s32 $0x40;
	s19 =	simm.s32 $0x0;
	[sflag:s10] =	ssyncadd.s32 $0xFFFFC000  }
.LBB2_2:
0x12: {  	p0 =	sne.s32 s18, $0xFFC0;
	[tilespmem:s19+$0x4000] =	vst v0;
	s19 =	smov.u32 s18;
	s18 =	sadd.s32 $0x40, s18  }
.Ltmp0:
0x13: {  	(pc) =	sbr.rel @p0 .LBB2_2-.Ltmp0, $2  }
0x14: {  	_ =	sdelay $0x2  }
0x15: {  	s19 =	sshra.s32 s19, $0x2  }
0x16: {  	[tilespmem:s19+$0x4000] =	vst v0;
	s18 =	simm.s32 $0x0;
	s19 =	simm.s32 $0x0  }
.LBB2_4:
0x17: {  	s20 =	sshll.u32 s19, $0xB  }
0x18: {  	s20 =	sadd.s32 s7, s20  }
0x19: {  	s20 =	sshrl.u32 s20, $0x3  }
0x1a: {  	s21 =	sadd.s32 s4, s20  }
0x1b: {  	[tilespmem:s11], [sflag:$0x1] =	stream.linear.gather [hbm4b:s21+s18], $0x800, $0x38;
	[tilespmem:$0x9800] =	vst v63  }
0x1c: {  	_ =	swait.ge [sflag:s10], $0x800  }
0x1d: {  	[sflag:s10] =	ssyncset.done $0x0  }
0x1e: {  	s31 =	sadd.s32 s5, s20;
	[sflag:s10] =	ssyncadd.s32 $0xFFFFF800  }
0x1f: {  	[tilespmem:s12], [sflag:$0x1] =	stream.linear.gather [hbm4b:s31+s18], $0x800, $0x38;
	[tilespmem:$0x9800] =	vst v63  }
0x20: {  	_ =	swait.ge [sflag:s10], $0x800  }
0x21: {  	[sflag:s10] =	ssyncset.done $0x0  }
0x22: {  	s20 =	sadd.s32 s6, s20;
	[sflag:s10] =	ssyncadd.s32 $0xFFFFF800  }
0x23: {  	[tilespmem:s13], [sflag:$0x1] =	stream.linear.gather [hbm4b:s20+s18], $0x800, $0x38;
	[tilespmem:$0x9800] =	vst v63  }
0x24: {  	_ =	swait.ge [sflag:s10], $0x800  }
0x25: {  	[sflag:s10] =	ssyncset.done $0x0  }
0x26: {  	s21 =	simm.s32 $0x0;
	s20 =	simm.s32 $0x40;
	[sflag:s10] =	ssyncadd.s32 $0xFFFFF800  }
.LBB2_5:
0x27: {  	p0 =	sne.s32 s20, $0x1FC0;
	v1 =	vld [tilespmem:s21+$0x8800];
	_ =	sdelay $0x6  }
0x28: {  	v2 =	vld [tilespmem:s21+$0x8000]  }
0x29: {  	v1 =	vld.idx.msk [tilespmem:v1+s3+$0x0], $0xffff  }
0x2a: {  	v3 =	vld [tilespmem:s21+$0x9000];
	_ =	sdelay $0x2  }
.Ltmp1:
0x2b: {  	(pc) =	sbr.rel @p0 .LBB2_5-.Ltmp1, $3  }
0x2c: {  	_ = 	snop  }
0x2d: {  	v1 =	vmul.f32 v1, v3;
	_ =	sdelay $0x1  }
0x2e: {  	s21 =	sshra.s32 s20, $0x2;
	s20 =	sadd.s32 $0x40, s20;
	[tilespmem:v2+s14+$0x0] =	vst.idx.add.f32.msk $0xffff, v1  }
0x2f: {  	v1 =	vld [tilespmem:s21+$0x8800];
	_ =	sdelay $0x5  }
0x30: {  	v2 =	vld [tilespmem:s21+$0x8000]  }
0x31: {  	v3 =	vld [tilespmem:s21+$0x9000]  }
0x32: {  	v1 =	vld.idx.msk [tilespmem:v1+s3+$0x0], $0xffff  }
0x33: {  	s19 =	sadd.s32 $0x1, s19  }
0x34: {  	p0 =	sne.s32 s19, $0x29  }
.Ltmp2:
0x35: {  	_ = 	snop;
	(pc) =	sbr.rel @p0 .LBB2_4-.Ltmp2, $3  }
0x36: {  	_ = 	snop  }
0x37: {  	v1 =	vmul.f32 v1, v3;
	_ =	sdelay $0x1  }
0x38: {  	[tilespmem:v2+s14+$0x0] =	vst.idx.add.f32.msk $0xffff, v1  }
0x39: {  	s17 =	sadd.s32 $0x1, s17  }
0x3a: {  	p0 =	sne.s32 s17, s9  }
.Ltmp3:
0x3b: {  	_ = 	snop;
	(pc) =	sbr.rel @p0 .LBB2_1-.Ltmp3, $4  }
0x3c: {  	[hbm4b:s8+s15] =	stream.strided.scatter [tilespmem:s14], [sflag:$0x1], $0x4000, s16, s15, $0x38;
	[tilespmem:$0x9800] =	vst v63  }
0x3d: {  	_ =	swait.ge [sflag:s10], $0x4000  }
0x3e: {  	[sflag:s10] =	ssyncset.done $0x0  }
0x3f: {  	[sflag:s10] =	ssyncadd.s32 $0xFFFFC000  }
0x40: {  	_ =	sfence.sel $0x180000  }
0x41: {  	[bflag:$0x0] =	sbarrier.arrive $0xFFFF  }
0x42: {  	p0 =	sne.s32 s1, $0x0;
	_ =	strace $0x9000004A  }
0x43: {  	s0 =	sadd.s32 @!p0 $0x100000, s0;
	[bflag:$0x2] =	sbarrier.arrive $0xFFFF  }
0x44: {  	[sflag:s0] =	ssyncadd.tile.s32 @!p0 $0x1;
	_ =	shalt  }
.Lfunc_end2:
_tile_overlayer_lowered:
.L_overlay_start_2:
0x45: {  	(tag) =	ssettag $0x2  }
0x46: {  	s0 =	rddreg [dreg:$0x0];
	s2 =	stileid.u32  }
0x47: {  	s1 =	rddreg [dreg:$0x1];
	p0 =	sne.s32 s2, $0x0  }
0x48: {  	s3 =	rddreg [dreg:$0x2];
	[bflag:$0x3] =	sbarrier.arrive $0xFFFF;
	s2 =	simm.s32 @!p0 $0x1C01  }
0x49: {  	[timem:s3], [sflag:s2] =	dma.local @!p0 [hbm:s0], s1  }
0x4a: {  	s0 =	simm.s32 @!p0 $0x1  }
0x4b: {  	_ =	swait.ge @!p0 [sflag:s0], s1  }
0x4c: {  	s1 =	ssub.s32 @!p0 $0x0, s1;
	[sflag:s0] =	ssyncset.done @!p0 $0x0  }
0x4d: {  	[sflag:s0] =	ssyncadd.s32 @!p0 s1  }
0x4e: {  	[bflag:$0x3] =	sbarrier.arrive $0xFFFF  }
0x4f: {  	_ =	shalt  }

</sc_bundles>
